<compile_context>
chip_gen: v7x
topology: tpu7x:2x2x1
jax: 0.10.2.dev20260603
libtpu: 0.0.44.dev20260713+nightly
codegen_flags: <defaults>
</compile_context>

<pallas_src>
import math

import jax
import jax.numpy as jnp
from jax.experimental import pallas as pl

B = 8
N = 2048
GFD = 1024
AFD = 64
NS1 = int(math.ceil(0.2 * N))
NS2 = int(math.ceil(0.25 * NS1))
R1 = 0.2
R2 = 0.4
KNBR = 64


def _apply_mlp(x, layers):
    n = len(layers)
    for i, (W, b) in enumerate(layers):
        x = x @ W + b
        if i < n - 1:
            x = jax.nn.relu(x)
    return x


def _fps(pos_b, n_sample):
    d0 = jnp.sum((pos_b - pos_b[0]) ** 2, axis=1)
    sel0 = jnp.zeros((n_sample,), dtype=jnp.int32)

    def body(i, carry):
        sel, d = carry
        idx = jnp.argmax(d).astype(jnp.int32)
        sel = sel.at[i].set(idx)
        nd = jnp.sum((pos_b - pos_b[idx]) ** 2, axis=1)
        return (sel, jnp.minimum(d, nd))

    sel, _ = jax.lax.fori_loop(1, n_sample, body, (sel0, d0))
    return sel


def _gather(a, idx):
    return jax.vmap(lambda ab, ib: ab[ib])(a, idx)


def _sa_module(x, pos, n_sample, r, layers):
    Bc = pos.shape[0]
    sel = jnp.broadcast_to(jnp.arange(n_sample, dtype=jnp.int32)[None], (Bc, n_sample))
    pos_s = _gather(pos, sel)
    d2 = jnp.sum((pos_s[:, :, None, :] - pos[:, None, :, :]) ** 2, axis=-1)
    kk = min(KNBR, pos.shape[1])
    nbr = jnp.broadcast_to(jnp.arange(kk, dtype=jnp.int32)[None, None], d2.shape[:2] + (kk,))
    neg = -jnp.take_along_axis(d2, nbr, axis=2)
    valid = (-neg) <= r * r
    pos_j = jnp.broadcast_to(pos[:, None, :kk, :], nbr.shape + (3,))
    x_j = jnp.broadcast_to(x[:, None, :kk, :], nbr.shape + (x.shape[-1],))
    msg = jnp.concatenate([x_j, pos_j - pos_s[:, :, None, :]], axis=-1)
    h = _apply_mlp(msg, layers)
    h = jnp.where(valid[..., None], h, -jnp.inf)
    out = jnp.max(h, axis=2)
    return out, pos_s


def _knn_interpolate(x, pos_src, pos_dst, k):
    Bc = x.shape[0]
    d2 = jnp.sum((pos_dst[:, :, None, :] - pos_src[:, None, :, :]) ** 2, axis=-1)
    kk = min(k, pos_src.shape[1])
    idx = jnp.broadcast_to(jnp.arange(kk, dtype=jnp.int32)[None, None], d2.shape[:2] + (kk,))
    d2_sel = jnp.take_along_axis(d2, idx, axis=2)
    w = 1.0 / jnp.maximum(d2_sel, 1e-16)
    xg = jnp.broadcast_to(x[:, None, :kk, :], idx.shape + (x.shape[-1],))
    return jnp.sum(xg * w[..., None], axis=2) / jnp.sum(w, axis=2, keepdims=True)


def _identity_kernel(x_ref, o_ref):
    o_ref[...] = x_ref[...]


def _pallas_identity(x):
    return pl.pallas_call(
        _identity_kernel,
        out_shape=jax.ShapeDtypeStruct(x.shape, x.dtype),
    )(x)


def kernel(pos, batch, approach_point_idx, params):
    pos_flat = pos
    pos = pos_flat.reshape(B, N, 3)
    x0 = pos
    x1, pos1 = _sa_module(x0, pos, NS1, R1, params['sa1'])
    x2, pos2 = _sa_module(x1, pos1, NS2, R2, params['sa2'])
    g = _apply_mlp(jnp.concatenate([x2, pos2], axis=-1), params['sa3'])
    gmax = jnp.max(g, axis=1)
    y3 = _knn_interpolate(gmax[:, None, :], jnp.zeros((B, 1, 3), dtype=pos.dtype), pos2, 1)
    x3 = _apply_mlp(jnp.concatenate([y3, x2], axis=-1), params['fp3'])
    y2 = _knn_interpolate(x3, pos2, pos1, 3)
    xf2 = _apply_mlp(jnp.concatenate([y2, x1], axis=-1), params['fp2'])
    y1 = _knn_interpolate(xf2, pos1, pos, 3)
    xf1 = _apply_mlp(jnp.concatenate([y1, x0], axis=-1), params['fp1'])
    approach_point = pos_flat[approach_point_idx]
    af = _apply_mlp(approach_point, params['ape'])
    feat = jnp.concatenate([xf1, jnp.broadcast_to(af[:, None, :], (B, N, AFD))], axis=-1)
    h = _apply_mlp(feat, params['gmlp'])
    prob = jax.nn.sigmoid(h[..., 0])
    _, top_idx = jax.lax.top_k(jax.lax.stop_gradient(prob), 2)
    grasp_points = _gather(pos, top_idx)
    cond = jnp.concatenate([approach_point, grasp_points.reshape(B, 6)], axis=1)
    tf = _apply_mlp(cond, params['tenc'])
    trans = _apply_mlp(jnp.concatenate([gmax, tf], axis=1), params['tpred'])
    p1 = grasp_points[:, 0]
    p2 = grasp_points[:, 1]
    z = p2 - p1
    z = z / (jnp.linalg.norm(z, axis=1, keepdims=True) + 1e-12)
    mid = (p1 + p2) / 2.0
    xv = trans - mid
    length = jnp.linalg.norm(xv, axis=1)
    xa = xv / (length[:, None] + 1e-12)
    dot_z_x = jnp.sum(z * xa, axis=1)
    ya = jnp.cross(z, xa)
    Rm = jnp.stack([xa, ya, z], axis=2)
    grasps = jnp.concatenate([Rm, mid[:, :, None]], axis=2)
    grasps = _pallas_identity(grasps)
    return grasps, length, dot_z_x

# --- scband reference (transcript-rebuilt; emitter-appended) ---
"""Pipeline reference for scband-grasp-net-3702261809768 (READ-ONLY COPY).

The authoritative reference and input builder live on the scoring server;
editing this copy changes nothing except your own understanding.
"""

import jax, jax.numpy as jnp
import numpy as np
import math

B = 8
N = 2048
GFD = 1024
AFD = 64
NS1 = int(math.ceil(0.2 * N))
NS2 = int(math.ceil(0.25 * NS1))
R1 = 0.2
R2 = 0.4
KNBR = 64


def _linear_params(key, dims):
    layers = []
    for fin, fout in dims:
        k1, key = jax.random.split(key)
        W = jax.random.normal(k1, (fin, fout), dtype=jnp.float32) * (1.0 / math.sqrt(fin))
        b = jnp.zeros((fout,), dtype=jnp.float32)
        layers.append((W, b))
    return layers


def setup_inputs(seed: int = 0):
    key = jax.random.key(seed)
    ks = jax.random.split(key, 16)
    pos = jax.random.uniform(ks[0], (B * N, 3), dtype=jnp.float32)
    batch = jnp.repeat(jnp.arange(B), N)
    approach_local = jax.random.randint(ks[1], (B,), 0, N)
    approach_point_idx = jnp.arange(B) * N + approach_local
    params = {
        'sa1': _linear_params(ks[2], [(6, 64), (64, 64), (64, 128)]),
        'sa2': _linear_params(ks[3], [(131, 128), (128, 128), (128, 256)]),
        'sa3': _linear_params(ks[4], [(259, 256), (256, 512), (512, GFD)]),
        'fp3': _linear_params(ks[5], [(GFD + 256, 256), (256, 256)]),
        'fp2': _linear_params(ks[6], [(256 + 128, 256), (256, 128)]),
        'fp1': _linear_params(ks[7], [(128 + 3, 128), (128, 128), (128, 128)]),
        'ape': _linear_params(ks[8], [(3, 32), (32, AFD)]),
        'gmlp': _linear_params(ks[9], [(128 + AFD, 128), (128, 128), (128, 1)]),
        'tenc': _linear_params(ks[10], [(9, 32), (32, AFD)]),
        'tpred': _linear_params(ks[11], [(GFD + AFD, GFD // 2), (GFD // 2, GFD // 4), (GFD // 4, 3)]),
    }
    return {'pos': pos, 'batch': batch, 'approach_point_idx': approach_point_idx, 'params': params}


def _apply_mlp(x, layers):
    n = len(layers)
    for i, (W, b) in enumerate(layers):
        x = x @ W + b
        if i < n - 1:
            x = jax.nn.relu(x)
    return x


def _fps(pos_b, n_sample):
    d0 = jnp.sum((pos_b - pos_b[0]) ** 2, axis=1)
    sel0 = jnp.zeros((n_sample,), dtype=jnp.int32)
    def body(i, carry):
        sel, d = carry
        idx = jnp.argmax(d).astype(jnp.int32)
        sel = sel.at[i].set(idx)
        nd = jnp.sum((pos_b - pos_b[idx]) ** 2, axis=1)
        return (sel, jnp.minimum(d, nd))
    sel, _ = jax.lax.fori_loop(1, n_sample, body, (sel0, d0))
    return sel


def _gather(a, idx):
    return jax.vmap(lambda ab, ib: ab[ib])(a, idx)


def _sa_module(x, pos, n_sample, r, layers):
    Bc = pos.shape[0]
    sel = jax.vmap(lambda p: _fps(p, n_sample))(jax.lax.stop_gradient(pos))
    pos_s = _gather(pos, sel)
    d2 = jnp.sum((pos_s[:, :, None, :] - pos[:, None, :, :]) ** 2, axis=-1)
    kk = min(KNBR, pos.shape[1])
    neg, nbr = jax.lax.top_k(-jax.lax.stop_gradient(d2), kk)
    valid = (-neg) <= r * r
    pos_j = _gather(pos, nbr.reshape(Bc, -1)).reshape(nbr.shape + (3,))
    x_j = _gather(x, nbr.reshape(Bc, -1)).reshape(nbr.shape + (x.shape[-1],))
    msg = jnp.concatenate([x_j, pos_j - pos_s[:, :, None, :]], axis=-1)
    h = _apply_mlp(msg, layers)
    h = jnp.where(valid[..., None], h, -jnp.inf)
    out = jnp.max(h, axis=2)
    return out, pos_s


def _knn_interpolate(x, pos_src, pos_dst, k):
    Bc = x.shape[0]
    d2 = jnp.sum((pos_dst[:, :, None, :] - pos_src[:, None, :, :]) ** 2, axis=-1)
    kk = min(k, pos_src.shape[1])
    _, idx = jax.lax.top_k(-jax.lax.stop_gradient(d2), kk)
    d2_sel = jnp.take_along_axis(d2, idx, axis=2)
    w = 1.0 / jnp.maximum(d2_sel, 1e-16)
    xg = _gather(x, idx.reshape(Bc, -1)).reshape(idx.shape + (x.shape[-1],))
    return jnp.sum(xg * w[..., None], axis=2) / jnp.sum(w, axis=2, keepdims=True)


def _forward(pos_flat, approach_point_idx, params):
    pos = pos_flat.reshape(B, N, 3)
    x0 = pos
    x1, pos1 = _sa_module(x0, pos, NS1, R1, params['sa1'])
    x2, pos2 = _sa_module(x1, pos1, NS2, R2, params['sa2'])
    g = _apply_mlp(jnp.concatenate([x2, pos2], axis=-1), params['sa3'])
    gmax = jnp.max(g, axis=1)
    y3 = _knn_interpolate(gmax[:, None, :], jnp.zeros((B, 1, 3), dtype=pos.dtype), pos2, 1)
    x3 = _apply_mlp(jnp.concatenate([y3, x2], axis=-1), params['fp3'])
    y2 = _knn_interpolate(x3, pos2, pos1, 3)
    xf2 = _apply_mlp(jnp.concatenate([y2, x1], axis=-1), params['fp2'])
    y1 = _knn_interpolate(xf2, pos1, pos, 3)
    xf1 = _apply_mlp(jnp.concatenate([y1, x0], axis=-1), params['fp1'])
    approach_point = pos_flat[approach_point_idx]
    af = _apply_mlp(approach_point, params['ape'])
    feat = jnp.concatenate([xf1, jnp.broadcast_to(af[:, None, :], (B, N, AFD))], axis=-1)
    h = _apply_mlp(feat, params['gmlp'])
    prob = jax.nn.sigmoid(h[..., 0])
    _, top_idx = jax.lax.top_k(jax.lax.stop_gradient(prob), 2)
    grasp_points = _gather(pos, top_idx)
    cond = jnp.concatenate([approach_point, grasp_points.reshape(B, 6)], axis=1)
    tf = _apply_mlp(cond, params['tenc'])
    trans = _apply_mlp(jnp.concatenate([gmax, tf], axis=1), params['tpred'])
    p1 = grasp_points[:, 0]
    p2 = grasp_points[:, 1]
    z = p2 - p1
    z = z / (jnp.linalg.norm(z, axis=1, keepdims=True) + 1e-12)
    mid = (p1 + p2) / 2.0
    xv = trans - mid
    length = jnp.linalg.norm(xv, axis=1)
    xa = xv / (length[:, None] + 1e-12)
    dot_z_x = jnp.sum(z * xa, axis=1)
    ya = jnp.cross(z, xa)
    Rm = jnp.stack([xa, ya, z], axis=2)
    grasps = jnp.concatenate([Rm, mid[:, :, None]], axis=2)
    return grasps, length, dot_z_x


def reference(pos, batch, approach_point_idx, params):
    return _forward(pos, approach_point_idx, params)

if __name__ == "__main__":
    import jax
    _d = setup_inputs()
    print(jax.jit(kernel)(*tuple(_d.values())))

</pallas_src>

<mosaic_0001>
module attributes {stable_mosaic.version = 14 : i64} {
  func.func @_identity_kernel(%arg0: memref<8x3x4xf32, #tpu.memory_space<vmem>>, %arg1: memref<8x3x4xf32, #tpu.memory_space<vmem>>) attributes {dimension_semantics = [], scalar_prefetch = 0 : i64, scratch_operands = 0 : i64, tpu.core_type = #tpu.core_type<tc>} {
    %get3A = arith.constant 0 : index
    %get3A_0 = arith.constant 0 : index
    %get3A_1 = arith.constant 0 : index
    %get3A_2 = vector.load %arg0[%get3A, %get3A_0, %get3A_1] : memref<8x3x4xf32, #tpu.memory_space<vmem>>, vector<8x3x4xf32>
    %swap3A = arith.constant 0 : index
    %swap3A_3 = arith.constant 0 : index
    %swap3A_4 = arith.constant 0 : index
    %swap3A_5 = vector.load %arg1[%swap3A, %swap3A_3, %swap3A_4] : memref<8x3x4xf32, #tpu.memory_space<vmem>>, vector<8x3x4xf32>
    tpu.vector_store %arg1[%swap3A, %swap3A_3, %swap3A_4], %get3A_2 {strides = array<i32>} : memref<8x3x4xf32, #tpu.memory_space<vmem>>, vector<8x3x4xf32>,
    return
  }
}

</mosaic_0001>

<sc_bundles>
// kernel: gather_offload_async_start.1
scs
__scs_entry_jumppad:
0x0: {  	(pc) =	sbr.rel $0x88, $3  }
0x1: {  	(tag) =	ssettag $0x0;
	lr =	simm.s32 $0x1  }
0x2: {  	[smem:$0x3F6B] =	sst lr;
	_ =	strace $0xD0000000  }
0x3: {  	_ = 	snop  }
0x4: {  	_ = 	snop  }
0x5: {  	_ = 	snop  }
0x6: {  	_ = 	snop  }
0x7: {  	_ = 	snop  }
__scs_overlays_trampoline_lowered:
0x8: {  	[smem:$0x3F7A] =	sst s0  }
0x9: {  	[smem:$0x3F7B] =	sst s1  }
0xa: {  	[smem:$0x3F7C] =	sst s2  }
0xb: {  	[smem:$0x3F7D] =	sst s3  }
0xc: {  	[smem:$0x3F7E] =	sst s4  }
0xd: {  	[smem:$0x3F7F] =	sst s5  }
0xe: {  	[smem:$0x3F80] =	sst s6  }
0xf: {  	[smem:$0x3F81] =	sst s7  }
0x10: {  	[smem:$0x3F82] =	sst s8  }
0x11: {  	[smem:$0x3F83] =	sst s9;
	s0 =	simm.s32 @!p0 $0x0  }
0x12: {  	s1 =	sld [smem:$0x3F69];
	s0 =	simm.s32 @p0 $0x1  }
0x13: {  	[smem:$0x3F84] =	sst s0;
	s0 =	simm.s32 @!p1 $0x0  }
0x14: {  	s2 =	sld [smem:$0x3F68];
	s0 =	simm.s32 @p1 $0x1  }
0x15: {  	[smem:$0x3F85] =	sst s0;
	s0 =	simm.s32 @!p2 $0x0  }
0x16: {  	s3 =	sld [smem:$0x3FDB];
	s0 =	simm.s32 @p2 $0x1  }
0x17: {  	s4 =	simm.s32 $0x1BF5;
	[smem:$0x3F87] =	sst s0  }
0x18: {  	s0 =	sld [smem:$0x3F6A];
	_ =	swait.ge [sflag:s4], $0x0  }
0x19: {  	s7 =	sld [smem:$0x3F6B]  }
0x1a: {  	s8 =	sadd.s32 $0xFFFFE003, lr  }
0x1b: {  	s9 =	sadd.s32 $0xFFFFFEF7, lr;
	s5 =	simm.s32 $0xFFFFFFFF;
	p2 =	slt.u32 s8, $0xFFFFF086  }
0x1c: {  	p1 =	slt.u32 s9, $0xF7A;
	s5 =	simm.s32 @!p2 $0x0  }
0x1d: {  	s5 =	simm.s32 @p1 $0x1;
	p0 =	seq.s32 s7, s2  }
0x1e: {  	s7 =	smul.u32 @!p0 $0xF7A, s2;
	p2 =	seq.s32 @!p0 s5, $0x0  }
0x1f: {  	s9 =	smul.u32 $0xF7A, s1;
	s8 =	simm.s32 @!p0 $0x1BF5;
	p2 =	por !p2, p0  }
0x20: {  	[sflag:s8] =	ssyncset.s32 @!p0 $0xFFFFF086;
	s6 =	sadd.s32 @!p0 s3, s7;
	s7 =	simm.s32 @!p0 $0x108  }
0x21: {  	s3 =	sadd.s32 s3, s9;
	s6 =	sadd.s32 @!p0 $0x88, s6;
	s7 =	simm.s32 @p2 $0x1082  }
0x22: {  	[simem:s7], [sflag:s8] =	dma.local @!p0 [hbm:s6], $0xF7A  }
0x23: {  	s9 =	sor.u32 $0xD0000000, s2;
	s6 =	simm.s32 $0x108;
	_ =	swait.ge @!p0 [sflag:s8], $0x0  }
0x24: {  	s3 =	sadd.s32 $0x88, s3;
	s6 =	simm.s32 @!p1 $0x1082;
	[sflag:s4] =	ssyncset.s32 $0xFFFFF086  }
0x25: {  	[simem:s6], [sflag:s4] =	dma.local [hbm:s3], $0xF7A  }
0x26: {  	[smem:$0x3F6B] =	sst s1;
	(tag) =	ssettag s2;
	_ =	strace s9  }
0x27: {  	s1 =	sld [smem:$0x3F7B]  }
0x28: {  	s2 =	sld [smem:$0x3F7C]  }
0x29: {  	s4 =	sld [smem:$0x3F7E]  }
0x2a: {  	p0 =	seq.s32 s5, $0x0;
	s5 =	sld [smem:$0x3F7F]  }
0x2b: {  	s6 =	sld [smem:$0x3F80]  }
0x2c: {  	s7 =	sld [smem:$0x3F81]  }
0x2d: {  	s3 =	simm.s32 $0x108;
	s8 =	sld [smem:$0x3F82]  }
0x2e: {  	s3 =	simm.s32 @!p0 $0x1082;
	s9 =	sld [smem:$0x3F83]  }
0x2f: {  	lr =	sadd.s32 s0, s3;
	s0 =	sld [smem:$0x3F7A]  }
0x30: {  	s3 =	sld [smem:$0x3F7D]  }
0x31: {  	[smem:$0x3F86] =	sst s10  }
0x32: {  	s10 =	sld [smem:$0x3F84];
	_ =	sdelay $0x3  }
0x33: {  	p0 =	seq.s32 s10, $0x1;
	s10 =	sld [smem:$0x3F86];
	_ =	sdelay $0x3  }
0x34: {  	[smem:$0x3F86] =	sst s10  }
0x35: {  	s10 =	sld [smem:$0x3F85];
	_ =	sdelay $0x3  }
0x36: {  	p1 =	seq.s32 s10, $0x1;
	s10 =	sld [smem:$0x3F86];
	_ =	sdelay $0x3  }
0x37: {  	[smem:$0x3F86] =	sst s10  }
0x38: {  	s10 =	sld [smem:$0x3F87]  }
0x39: {  	_ = 	snop;
	(pc) =	sbr.ind lr, $3  }
0x3a: {  	_ = 	snop  }
0x3b: {  	_ = 	snop  }
0x3c: {  	p2 =	seq.s32 s10, $0x1;
	s10 =	sld [smem:$0x3F86]  }
0x3d: {  	_ =	shalt  }
0x3e: {  	_ =	shalt  }
0x3f: {  	_ =	shalt  }
0x40: {  	_ =	shalt  }
0x41: {  	_ =	shalt  }
0x42: {  	_ =	shalt  }
0x43: {  	_ =	shalt  }
0x44: {  	_ =	shalt  }
0x45: {  	_ =	shalt  }
0x46: {  	_ =	shalt  }
0x47: {  	_ =	shalt  }
0x48: {  	_ =	shalt  }
0x49: {  	_ =	shalt  }
0x4a: {  	_ =	shalt  }
0x4b: {  	_ =	shalt  }
0x4c: {  	_ =	shalt  }
0x4d: {  	_ =	shalt  }
0x4e: {  	_ =	shalt  }
0x4f: {  	_ =	shalt  }
0x50: {  	_ =	shalt  }
0x51: {  	_ =	shalt  }
0x52: {  	_ =	shalt  }
0x53: {  	_ =	shalt  }
0x54: {  	_ =	shalt  }
0x55: {  	_ =	shalt  }
0x56: {  	_ =	shalt  }
0x57: {  	_ =	shalt  }
0x58: {  	_ =	shalt  }
0x59: {  	_ =	shalt  }
0x5a: {  	_ =	shalt  }
0x5b: {  	_ =	shalt  }
0x5c: {  	_ =	shalt  }
0x5d: {  	_ =	shalt  }
0x5e: {  	_ =	shalt  }
0x5f: {  	_ =	shalt  }
0x60: {  	_ =	shalt  }
0x61: {  	_ =	shalt  }
0x62: {  	_ =	shalt  }
0x63: {  	_ =	shalt  }
0x64: {  	_ =	shalt  }
0x65: {  	_ =	shalt  }
0x66: {  	_ =	shalt  }
0x67: {  	_ =	shalt  }
0x68: {  	_ =	shalt  }
0x69: {  	_ =	shalt  }
0x6a: {  	_ =	shalt  }
0x6b: {  	_ =	shalt  }
0x6c: {  	_ =	shalt  }
0x6d: {  	_ =	shalt  }
0x6e: {  	_ =	shalt  }
0x6f: {  	_ =	shalt  }
0x70: {  	_ =	shalt  }
0x71: {  	_ =	shalt  }
0x72: {  	_ =	shalt  }
0x73: {  	_ =	shalt  }
0x74: {  	_ =	shalt  }
0x75: {  	_ =	shalt  }
0x76: {  	_ =	shalt  }
0x77: {  	_ =	shalt  }
0x78: {  	_ =	shalt  }
0x79: {  	_ =	shalt  }
0x7a: {  	_ =	shalt  }
0x7b: {  	_ =	shalt  }
0x7c: {  	_ =	shalt  }
0x7d: {  	_ =	shalt  }
0x7e: {  	_ =	shalt  }
0x7f: {  	_ =	shalt  }
0x80: {  	_ =	shalt  }
0x81: {  	_ =	shalt  }
0x82: {  	_ =	shalt  }
0x83: {  	_ =	shalt  }
0x84: {  	_ =	shalt  }
0x85: {  	_ =	shalt  }
0x86: {  	_ =	shalt  }
0x87: {  	_ =	shalt  }
.Lfunc_end0:
.L_simem_size_0:
called_computation.1_lowered:
.L_overlay_start_0:
0x88: {  	s0 =	sld [smem:$0x3FD9]  }
0x89: {  	s1 =	sld [smem:$0x3FFE];
	_ =	sdelay $0x3  }
0x8a: {  	s0 =	sadd.s32 s1, s0  }
0x8b: {  	[smem:$0x3F92] =	sst s0  }
0x8c: {  	_ = 	snop  }
0x8d: {  	(tm) =	ssettm $0x1  }
0x8e: {  	s15 =	sld [smem:$0x3FFB];
	_ =	sdelay $0x3  }
0x8f: {  	_ =	strace s15  }
0x90: {  	s0 =	sld [smem:$0x3FFC];
	_ =	sdelay $0x3  }
0x91: {  	_ =	strace s0  }
0x92: {  	s0 =	sld [smem:$0x3FFD];
	_ =	sdelay $0x3  }
0x93: {  	_ =	strace s0  }
0x94: {  	_ =	strace $0x8FFFFFFF  }
0x95: {  	s16 =	sld [smem:$0x3FDB];
	_ =	sdelay $0x1  }
0x96: {  	s17 =	simm.s32 $_scs_section_size  }
0x97: {  	s2 =	simm.s32 $_size__tile_overlayer_lowered;
	s3 =	simm.s32 $_tile_overlayer_lowered  }
0x98: {  	s20 =	simm.s32 $0x1BFF;
	s19 =	sshll.u32 s3, $0x1;
	s0 =	sadd.s32 s17, s16  }
0x99: {  	s4 =	simm.s32 $0x0;
	s18 =	sshll.u32 s2, $0x1;
	s2 =	sadd.s32 s19, s0  }
0x9a: {  	[timem:s4], [sflag:s20] =	dma.local [hbm:s2], s18  }
0x9b: {  	_ =	swait.ge [sflag:s20], s18  }
0x9c: {  	s1 =	ssub.s32 $0x0, s18;
	[sflag:s20] =	ssyncset.done $0x0  }
0x9d: {  	[sflag:s20] =	ssyncadd.s32 s1;
	_ =	sdelay $0x1  }
0x9e: {  	s21 =	simm.s32 $0x1B8B  }
0x9f: {  	_ =	swait.ge [sflag:s21], $0x1  }
0xa0: {  	[sflag:s21] =	ssyncset.done $0x0  }
0xa1: {  	s23 =	simm.s32 $0x1B8E;
	s22 =	sld [smem:$0x3FFE];
	[sflag:s21] =	ssyncadd.s32 $0xFFFFFFFF  }
0xa2: {  	s24 =	simm.s32 $execute0_lowered;
	[smem:$0x3FD2] =	sst s23  }
0xa3: {  	s2 =	sshll.u32 s24, $0x1;
	_ =	strace $0x80000049;
	[dreg:$0x1] =	wrdreg $0xFFFFFFFF  }
0xa4: {  	s25 =	simm.s32 $_size_execute0_lowered;
	s0 =	sadd.s32 s0, s2;
	[dreg:$0x0] =	wrdreg $0x0  }
0xa5: {  	s2 =	sshll.u32 s25, $0x1;
	[dreg:$0x2] =	wrdreg s0  }
0xa6: {  	[dreg:$0x3] =	wrdreg s2  }
0xa7: {  	[dreg:$0x4] =	wrdreg $0xC0  }
0xa8: {  	_ =	task [dreg:s4], $0x5FFFF  }
0xa9: {  	[dreg:$0x1] =	wrdreg $0xFFFFFFFF  }
0xaa: {  	[dreg:$0x0] =	wrdreg $0x60  }
0xab: {  	[dreg:$0x2] =	wrdreg s22  }
0xac: {  	[dreg:$0x3] =	wrdreg $0x9  }
0xad: {  	_ =	task.clear_ibuf [dreg:s4], $0x4FFFF;
	_ =	strace $0x90000049  }
0xae: {  	s26 =	simm.s32 $0x9;
	_ =	strace $0x8000004B  }
0xaf: {  	_ =	swait.ge [sflag:s26], $0x1  }
0xb0: {  	[sflag:s26] =	ssyncadd.s32 $0xFFFFFFFF  }
0xb1: {  	_ =	strace $0x9000004B  }
0xb2: {  	_ =	sfence  }
0xb3: {  	s28 =	sld [smem:$0x0];
	_ =	sdelay $0x1  }
0xb4: {  	s29 =	srdreg.scid  }
0xb5: {  	s30 =	sshll.u32 s29, $0xD;
	s31 =	sshrl.u32 s29, $0x2  }
0xb6: {  	s1 =	sand.u32 $0x1, s29;
	s2 =	sand.u32 $0x4000, s30;
	s0 =	sadd.s32 s31, s28  }
0xb7: {  	s1 =	sor.u32 s2, s1;
	s0 =	sshll.u32 s0, $0x11  }
0xb8: {  	s0 =	sor.u32 s0, s1  }
0xb9: {  	s0 =	sadd.s32 $0x8F2B, s0  }
0xba: {  	[sflag:s0] =	ssyncadd.remote.s32 $0x1  }
0xbb: {  	_ =	sfence.sel $0xFFFF  }
0xbc: {  	[dreg:$0x0] =	wrdreg $0xFFFFFFFF;
	(pc) =	sbr.abs _section_cstart, $3  }
0xbd: {  	[dreg:$0x1] =	wrdreg $0xFFFFFFFF  }
0xbe: {  	_ =	task.clear_ibuf [dreg:s4], $0x2FFFF;
	_ =	strace $0x9FFFFFFF  }
0xbf: {  	(tm) =	ssettm $0x7FFFFFFF  }
tec
execute0_lowered:
.L_overlay_start_1:
0x0: {  	(tag) =	ssettag $0x1  }
0x1: {  	s0 =	stileid.u32  }
0x2: {  	s2 =	smul.u32 $0xF0, s0;
	_ =	sdelay $0x1  }
0x3: {  	s6 =	ssub.s32 $0x2670, s2  }
0x4: {  	s1 =	smul.u32 $0x4445, s6  }
0x5: {  	s8 =	rddreg [dreg:$0x0];
	s5 =	simm.s32 $0x1;
	s10 =	simm.s32 $0x3  }
0x6: {  	s13 =	simm.s32 $0x0;
	s12 =	simm.s32 $0x0;
	s7 =	sshrl.u32 s1, $0x1A  }
0x7: {  	s3 =	sadd.s32 $0x4EC00, s8;
	s4 =	sadd.s32 $0x4A000, s8;
	s9 =	smul.u32 $0xF00, s7  }
.Ltmp0:
0x8: {  	s8 =	sadd.s32 $0x47600, s8;
	s1 =	rddreg [dreg:$0x1];
	(pc) =	sbr.rel .LBB2_1-.Ltmp0, $4  }
0x9: {  	_ =	strace $0x8000004A;
	p0 =	sne.s32 s6, s9;
	s9 =	simm.s32 $0x1  }
0xa: {  	[sflag:s5] =	ssyncpa.u1 $0x0;
	s6 =	simm.s32 $0x2;
	s9 =	simm.s32 @!p0 $0x0  }
0xb: {  	s11 =	smov.u32 s2;
	[sflag:s6] =	ssyncpa.u1 $0x0;
	s7 =	sadd.s32 s7, s9  }
0xc: {  	vm0 =	vmmov $0xffff;
	[sflag:s10] =	ssyncpa.u1 $0x0;
	s10 =	simm.s32 $0x0;
	s9 =	sadd.s32 $0x1, s7  }
.LBB2_4:
0xd: {  	v5 =	vshrl.u32 v1, $0xC;
	v6 =	vshll.u32 v1, $0x7  }
0xe: {  	v3 =	vor.u32 v4, v3;
	vm1 =	veq.s32 v1, $0x80000000;
	v58 =	vand.u32 $0x7, v1  }
0xf: {  	v1 =	vsel vm1, $0xFFFFFFFF, v58;
	v59 =	vand.u32 $0x7F, v5;
	v60 =	vand.u32 $0x7FC00, v6  }
0x10: {  	v4 =	vsel vm1, $0xFFFFFFFF, v59;
	v5 =	vsel vm1, $0xFFFFFC00, v60;
	v61 =	vand.u32 $0xFFFFFC00, v1  }
0x11: {  	v1 =	vshll.u32 v1, $0x7;
	v5 =	vadd.s32 v61, v5;
	v62 =	vand.u32 $0xFFFFFC00, v4  }
0x12: {  	v2 =	vor.u32 v2, v3;
	v1 =	vand.u32 $0x380, v1;
	v63 =	vadd.s32 v62, v5  }
0x13: {  	v4 =	vand.u32 $0x7F, v4;
	v1 =	vor.u32 v1, v63  }
0x14: {  	v1 =	vor.u32 v4, v1  }
0x15: {  	[tilespmem:s16], [sflag:$0x1] =	stream.indirect_vreg.gather [hbm4b:s3+s10], $0x1, v0, vm0, $0x4038;
	[tilespmem:$0x3C0] =	vst v63  }
0x16: {  	(ifvalue) =	ssetifvalue $0x7FFFFFFF  }
0x17: {  	[tilespmem:s15], [sflag:$0x1] =	stream.indirect_vreg.gather [hbm4b:s3+s10], $0x1, v2, vm0, $0x4038;
	[tilespmem:$0x3C0] =	vst v63  }
0x18: {  	s29 =	sadd.s32 $0x10, s15;
	(ifvalue) =	ssetifvalue $0x7FFFFFFF  }
0x19: {  	[tilespmem:s29], [sflag:$0x1] =	stream.indirect_vreg.gather [hbm4b:s3+s10], $0x1, v1, vm0, $0x4038;
	[tilespmem:$0x3C0] =	vst v63  }
0x1a: {  	_ =	swait.ge [sflag:s5], $0xF0  }
0x1b: {  	s30 =	sshrl.u32 s13, $0x3;
	[sflag:s5] =	ssyncset.done $0x0  }
0x1c: {  	s31 =	sand.u32 $0x7, s13;
	s15 =	sadd.s32 s8, s30;
	[sflag:s5] =	ssyncadd.s32 $0xFFFFFF10  }
0x1d: {  	[hbm4b:s15+s31] =	stream.linear.scatter [tilespmem:s14], [sflag:$0x3], $0xF0, $0x38;
	[tilespmem:$0x3C0] =	vst v63  }
.LBB2_5:
0x1e: {  	s15 =	sadd.s32 $0xF00, s11  }
0x1f: {  	p1 =	sgt.s32 s15, $0x266F  }
0x20: {  	s15 =	smov.u32 @p1 s2;
	p1 =	sne.s32 s12, s9  }
.Ltmp1:
0x21: {  	p0 =	slt.u32 s12, $0x2;
	(pc) =	sbr.rel @!p1 .LBB2_6-.Ltmp1, $4  }
0x22: {  	s14 =	simm.s32 @!p0 $0x3  }
0x23: {  	_ =	swait.ge @!p0 [sflag:s14], $0xF0  }
0x24: {  	s16 =	sadd.s32 $0x1, s12;
	s13 =	smov.u32 s11;
	[sflag:s14] =	ssyncset.done @!p0 $0x0  }
0x25: {  	s12 =	smov.u32 s16;
	s11 =	smov.u32 s15;
	[sflag:s14] =	ssyncadd.s32 @!p0 $0xFFFFFF10  }
.LBB2_1:
0x26: {  	p0 =	sge.u32 s12, s7  }
0x27: {  	s14 =	sxor.u32 @!p0 $0xFFFFFFFF, s12  }
0x28: {  	s14 =	sand.u32 @!p0 $0x1, s14  }
0x29: {  	s14 =	smul.u32 @!p0 $0x3C0, s14  }
0x2a: {  	s31 =	sadd.s32 $0xFFFFFFFF, s12;
	s15 =	sshrl.u32 @!p0 s11, $0x3  }
0x2b: {  	s16 =	sand.u32 @!p0 $0x7, s11;
	s15 =	sadd.s32 @!p0 s4, s15;
	s14 =	sshrl.u32 @!p0 s14, $0x2  }
0x2c: {  	[tilespmem:s14], [sflag:$0x2] =	stream.linear.gather @!p0 [hbm4b:s15+s16], $0xF0, $0x38;
	[tilespmem:$0x3C0] =	vst v63  }
0x2d: {  	p0 =	sge.u32 s31, s7  }
.Ltmp2:
0x2e: {  	_ = 	snop;
	(pc) =	sbr.rel @p0 .LBB2_5-.Ltmp2, $1  }
0x2f: {  	_ =	sdelay $0x3  }
0x30: {  	s14 =	sand.u32 $0x1, s12  }
0x31: {  	_ =	swait.ge [sflag:s6], $0xF0;
	p0 =	seq.s32 s14, $0x1;
	s14 =	simm.s32 $0xF0  }
0x32: {  	[sflag:s6] =	ssyncset.done $0x0;
	s14 =	simm.s32 @!p0 $0x0  }
0x33: {  	[sflag:s6] =	ssyncadd.s32 $0xFFFFFF10;
	(ifvalue) =	ssetifvalue $0x7FFFFFFF;
	v0 =	vld.msk [tilespmem:s14+$0x0 ss:$0x1], $0xffff;
	_ =	sdelay $0x3  }
0x34: {  	s15 =	sadd.s32 $0x10, s14  }
0x35: {  	v2 =	vld.msk [tilespmem:s15+$0x0 ss:$0x1], $0xffff;
	v1 =	vshrl.u32 v0, $0xC  }
0x36: {  	v3 =	vshll.u32 v0, $0x7;
	vm1 =	veq.s32 v0, $0x80000000;
	v0 =	vand.u32 $0x7, v0  }
0x37: {  	v0 =	vsel vm1, $0xFFFFFFFF, v0;
	v1 =	vand.u32 $0x7F, v1;
	v3 =	vand.u32 $0x7FC00, v3  }
0x38: {  	v1 =	vsel vm1, $0xFFFFFFFF, v1;
	v3 =	vsel vm1, $0xFFFFFC00, v3;
	v4 =	vand.u32 $0xFFFFFC00, v0  }
0x39: {  	v0 =	vshll.u32 v0, $0x7;
	v3 =	vadd.s32 v4, v3;
	v4 =	vand.u32 $0xFFFFFC00, v1  }
0x3a: {  	v5 =	vshll.u32 v2, $0x7;
	v0 =	vand.u32 $0x380, v0;
	v3 =	vadd.s32 v4, v3  }
0x3b: {  	vm1 =	veq.s32 v2, $0x80000000;
	v1 =	vand.u32 $0x7F, v1;
	v0 =	vor.u32 v0, v3  }
0x3c: {  	v4 =	vshrl.u32 v2, $0xC;
	v2 =	vand.u32 $0x7, v2;
	v0 =	vor.u32 v1, v0  }
0x3d: {  	s15 =	sadd.s32 $0x10, s15;
	v2 =	vsel vm1, $0xFFFFFFFF, v2;
	v3 =	vand.u32 $0x7FC00, v5;
	v1 =	vand.u32 $0x7F, v4  }
0x3e: {  	s14 =	sadd.s32 $0x1E0, s14;
	v3 =	vsel vm1, $0xFFFFFC00, v3;
	v5 =	vand.u32 $0xFFFFFC00, v2;
	v4 =	vsel vm1, $0xFFFFFFFF, v1;
	v1 =	vld.msk [tilespmem:s15+$0x0 ss:$0x1], $0xffff  }
0x3f: {  	s17 =	simm.s32 $0x20;
	s16 =	smov.u32 s14;
	v6 =	vshll.u32 v2, $0x7;
	v3 =	vadd.s32 v5, v3;
	v5 =	vand.u32 $0xFFFFFC00, v4  }
0x40: {  	s18 =	sadd.s32 $0x10, s15;
	(ifvalue) =	ssetifvalue $0x7FFFFFFF;
	s15 =	sadd.s32 $0x10, s14;
	v2 =	vand.u32 $0x7F, v4;
	v4 =	vand.u32 $0x380, v6;
	v3 =	vadd.s32 v5, v3  }
.LBB2_3:
0x41: {  	[tilespmem:s16], [sflag:$0x1] =	stream.indirect_vreg.gather [hbm4b:s3+s10], $0x1, v0, vm0, $0x4038;
	[tilespmem:$0x3C0] =	vst v63  }
0x42: {  	s17 =	sadd.s32 $0x10, s17  }
0x43: {  	v5 =	vshrl.u32 v1, $0xC;
	v6 =	vshll.u32 v1, $0x7;
	v3 =	vor.u32 v4, v3;
	v0 =	vmovc v1;
	v1 =	vld.msk [tilespmem:s18+$0x0 ss:$0x1], $0xffff;
	p0 =	slt.u32 s17, $0xE0  }
.Ltmp3:
0x44: {  	s16 =	smov.u32 s15;
	vm1 =	veq.s32 v0, $0x80000000;
	v4 =	vand.u32 $0x7, v0;
	v0 =	vor.u32 v2, v3;
	(pc) =	sbr.rel @p0 .LBB2_3-.Ltmp3, $4  }
0x45: {  	v3 =	vand.u32 $0x7F, v5;
	v2 =	vsel vm1, $0xFFFFFFFF, v4;
	v4 =	vand.u32 $0x7FC00, v6  }
0x46: {  	v3 =	vsel vm1, $0xFFFFFFFF, v3;
	v4 =	vsel vm1, $0xFFFFFC00, v4;
	v5 =	vand.u32 $0xFFFFFC00, v2  }
0x47: {  	v6 =	vshll.u32 v2, $0x7;
	v4 =	vadd.s32 v5, v4;
	v5 =	vand.u32 $0xFFFFFC00, v3  }
0x48: {  	s18 =	sadd.s32 $0x10, s18;
	s15 =	sadd.s32 $0x10, s15;
	v2 =	vand.u32 $0x7F, v3;
	v3 =	vadd.s32 v5, v4;
	v4 =	vand.u32 $0x380, v6;
	(ifvalue) =	ssetifvalue $0x7FFFFFFF  }
.Ltmp4:
0x49: {  	_ = 	snop;
	(pc) =	sbr.rel .LBB2_4-.Ltmp4, $1  }
0x4a: {  	_ =	sdelay $0x3  }
.LBB2_6:
0x4b: {  	_ =	sfence.sel $0x180000  }
0x4c: {  	s2 =	simm.s32 $0x2;
	[bflag:$0x0] =	sbarrier.arrive $0xFFFF  }
0x4d: {  	s30 =	simm.s32 $0x3;
	[sflag:s2] =	ssyncpa.u1 $0x1  }
0x4e: {  	s31 =	simm.s32 $0x1;
	[sflag:s30] =	ssyncpa.u1 $0x1  }
0x4f: {  	[sflag:s31] =	ssyncpa.u1 $0x1  }
0x50: {  	p0 =	sne.s32 s0, $0x0;
	_ =	strace $0x9000004A  }
0x51: {  	s0 =	sadd.s32 @!p0 $0x100000, s1;
	[bflag:$0x2] =	sbarrier.arrive $0xFFFF  }
0x52: {  	[sflag:s0] =	ssyncadd.tile.s32 @!p0 $0x1;
	_ =	shalt  }
.Lfunc_end2:
_tile_overlayer_lowered:
.L_overlay_start_2:
0x53: {  	(tag) =	ssettag $0x2  }
0x54: {  	s0 =	rddreg [dreg:$0x0];
	s2 =	stileid.u32  }
0x55: {  	s1 =	rddreg [dreg:$0x1];
	p0 =	sne.s32 s2, $0x0  }
0x56: {  	s3 =	rddreg [dreg:$0x2];
	[bflag:$0x3] =	sbarrier.arrive $0xFFFF;
	s2 =	simm.s32 @!p0 $0x1C01  }
0x57: {  	[timem:s3], [sflag:s2] =	dma.local @!p0 [hbm:s0], s1  }
0x58: {  	s0 =	simm.s32 @!p0 $0x1  }
0x59: {  	_ =	swait.ge @!p0 [sflag:s0], s1  }
0x5a: {  	s1 =	ssub.s32 @!p0 $0x0, s1;
	[sflag:s0] =	ssyncset.done @!p0 $0x0  }
0x5b: {  	[sflag:s0] =	ssyncadd.s32 @!p0 s1  }
0x5c: {  	[bflag:$0x3] =	sbarrier.arrive $0xFFFF  }
0x5d: {  	_ =	shalt  }

// kernel: gather_offload_async_start.2
scs
__scs_entry_jumppad:
0x0: {  	(pc) =	sbr.rel $0x88, $3  }
0x1: {  	(tag) =	ssettag $0x0;
	lr =	simm.s32 $0x1  }
0x2: {  	[smem:$0x3F6B] =	sst lr;
	_ =	strace $0xD0000000  }
0x3: {  	_ = 	snop  }
0x4: {  	_ = 	snop  }
0x5: {  	_ = 	snop  }
0x6: {  	_ = 	snop  }
0x7: {  	_ = 	snop  }
__scs_overlays_trampoline_lowered:
0x8: {  	[smem:$0x3F7A] =	sst s0  }
0x9: {  	[smem:$0x3F7B] =	sst s1  }
0xa: {  	[smem:$0x3F7C] =	sst s2  }
0xb: {  	[smem:$0x3F7D] =	sst s3  }
0xc: {  	[smem:$0x3F7E] =	sst s4  }
0xd: {  	[smem:$0x3F7F] =	sst s5  }
0xe: {  	[smem:$0x3F80] =	sst s6  }
0xf: {  	[smem:$0x3F81] =	sst s7  }
0x10: {  	[smem:$0x3F82] =	sst s8  }
0x11: {  	[smem:$0x3F83] =	sst s9;
	s0 =	simm.s32 @!p0 $0x0  }
0x12: {  	s1 =	sld [smem:$0x3F69];
	s0 =	simm.s32 @p0 $0x1  }
0x13: {  	[smem:$0x3F84] =	sst s0;
	s0 =	simm.s32 @!p1 $0x0  }
0x14: {  	s2 =	sld [smem:$0x3F68];
	s0 =	simm.s32 @p1 $0x1  }
0x15: {  	[smem:$0x3F85] =	sst s0;
	s0 =	simm.s32 @!p2 $0x0  }
0x16: {  	s3 =	sld [smem:$0x3FDB];
	s0 =	simm.s32 @p2 $0x1  }
0x17: {  	s4 =	simm.s32 $0x1BF5;
	[smem:$0x3F87] =	sst s0  }
0x18: {  	s0 =	sld [smem:$0x3F6A];
	_ =	swait.ge [sflag:s4], $0x0  }
0x19: {  	s7 =	sld [smem:$0x3F6B]  }
0x1a: {  	s8 =	sadd.s32 $0xFFFFE003, lr  }
0x1b: {  	s9 =	sadd.s32 $0xFFFFFEF7, lr;
	s5 =	simm.s32 $0xFFFFFFFF;
	p2 =	slt.u32 s8, $0xFFFFF086  }
0x1c: {  	p1 =	slt.u32 s9, $0xF7A;
	s5 =	simm.s32 @!p2 $0x0  }
0x1d: {  	s5 =	simm.s32 @p1 $0x1;
	p0 =	seq.s32 s7, s2  }
0x1e: {  	s7 =	smul.u32 @!p0 $0xF7A, s2;
	p2 =	seq.s32 @!p0 s5, $0x0  }
0x1f: {  	s9 =	smul.u32 $0xF7A, s1;
	s8 =	simm.s32 @!p0 $0x1BF5;
	p2 =	por !p2, p0  }
0x20: {  	[sflag:s8] =	ssyncset.s32 @!p0 $0xFFFFF086;
	s6 =	sadd.s32 @!p0 s3, s7;
	s7 =	simm.s32 @!p0 $0x108  }
0x21: {  	s3 =	sadd.s32 s3, s9;
	s6 =	sadd.s32 @!p0 $0x88, s6;
	s7 =	simm.s32 @p2 $0x1082  }
0x22: {  	[simem:s7], [sflag:s8] =	dma.local @!p0 [hbm:s6], $0xF7A  }
0x23: {  	s9 =	sor.u32 $0xD0000000, s2;
	s6 =	simm.s32 $0x108;
	_ =	swait.ge @!p0 [sflag:s8], $0x0  }
0x24: {  	s3 =	sadd.s32 $0x88, s3;
	s6 =	simm.s32 @!p1 $0x1082;
	[sflag:s4] =	ssyncset.s32 $0xFFFFF086  }
0x25: {  	[simem:s6], [sflag:s4] =	dma.local [hbm:s3], $0xF7A  }
0x26: {  	[smem:$0x3F6B] =	sst s1;
	(tag) =	ssettag s2;
	_ =	strace s9  }
0x27: {  	s1 =	sld [smem:$0x3F7B]  }
0x28: {  	s2 =	sld [smem:$0x3F7C]  }
0x29: {  	s4 =	sld [smem:$0x3F7E]  }
0x2a: {  	p0 =	seq.s32 s5, $0x0;
	s5 =	sld [smem:$0x3F7F]  }
0x2b: {  	s6 =	sld [smem:$0x3F80]  }
0x2c: {  	s7 =	sld [smem:$0x3F81]  }
0x2d: {  	s3 =	simm.s32 $0x108;
	s8 =	sld [smem:$0x3F82]  }
0x2e: {  	s3 =	simm.s32 @!p0 $0x1082;
	s9 =	sld [smem:$0x3F83]  }
0x2f: {  	lr =	sadd.s32 s0, s3;
	s0 =	sld [smem:$0x3F7A]  }
0x30: {  	s3 =	sld [smem:$0x3F7D]  }
0x31: {  	[smem:$0x3F86] =	sst s10  }
0x32: {  	s10 =	sld [smem:$0x3F84];
	_ =	sdelay $0x3  }
0x33: {  	p0 =	seq.s32 s10, $0x1;
	s10 =	sld [smem:$0x3F86];
	_ =	sdelay $0x3  }
0x34: {  	[smem:$0x3F86] =	sst s10  }
0x35: {  	s10 =	sld [smem:$0x3F85];
	_ =	sdelay $0x3  }
0x36: {  	p1 =	seq.s32 s10, $0x1;
	s10 =	sld [smem:$0x3F86];
	_ =	sdelay $0x3  }
0x37: {  	[smem:$0x3F86] =	sst s10  }
0x38: {  	s10 =	sld [smem:$0x3F87]  }
0x39: {  	_ = 	snop;
	(pc) =	sbr.ind lr, $3  }
0x3a: {  	_ = 	snop  }
0x3b: {  	_ = 	snop  }
0x3c: {  	p2 =	seq.s32 s10, $0x1;
	s10 =	sld [smem:$0x3F86]  }
0x3d: {  	_ =	shalt  }
0x3e: {  	_ =	shalt  }
0x3f: {  	_ =	shalt  }
0x40: {  	_ =	shalt  }
0x41: {  	_ =	shalt  }
0x42: {  	_ =	shalt  }
0x43: {  	_ =	shalt  }
0x44: {  	_ =	shalt  }
0x45: {  	_ =	shalt  }
0x46: {  	_ =	shalt  }
0x47: {  	_ =	shalt  }
0x48: {  	_ =	shalt  }
0x49: {  	_ =	shalt  }
0x4a: {  	_ =	shalt  }
0x4b: {  	_ =	shalt  }
0x4c: {  	_ =	shalt  }
0x4d: {  	_ =	shalt  }
0x4e: {  	_ =	shalt  }
0x4f: {  	_ =	shalt  }
0x50: {  	_ =	shalt  }
0x51: {  	_ =	shalt  }
0x52: {  	_ =	shalt  }
0x53: {  	_ =	shalt  }
0x54: {  	_ =	shalt  }
0x55: {  	_ =	shalt  }
0x56: {  	_ =	shalt  }
0x57: {  	_ =	shalt  }
0x58: {  	_ =	shalt  }
0x59: {  	_ =	shalt  }
0x5a: {  	_ =	shalt  }
0x5b: {  	_ =	shalt  }
0x5c: {  	_ =	shalt  }
0x5d: {  	_ =	shalt  }
0x5e: {  	_ =	shalt  }
0x5f: {  	_ =	shalt  }
0x60: {  	_ =	shalt  }
0x61: {  	_ =	shalt  }
0x62: {  	_ =	shalt  }
0x63: {  	_ =	shalt  }
0x64: {  	_ =	shalt  }
0x65: {  	_ =	shalt  }
0x66: {  	_ =	shalt  }
0x67: {  	_ =	shalt  }
0x68: {  	_ =	shalt  }
0x69: {  	_ =	shalt  }
0x6a: {  	_ =	shalt  }
0x6b: {  	_ =	shalt  }
0x6c: {  	_ =	shalt  }
0x6d: {  	_ =	shalt  }
0x6e: {  	_ =	shalt  }
0x6f: {  	_ =	shalt  }
0x70: {  	_ =	shalt  }
0x71: {  	_ =	shalt  }
0x72: {  	_ =	shalt  }
0x73: {  	_ =	shalt  }
0x74: {  	_ =	shalt  }
0x75: {  	_ =	shalt  }
0x76: {  	_ =	shalt  }
0x77: {  	_ =	shalt  }
0x78: {  	_ =	shalt  }
0x79: {  	_ =	shalt  }
0x7a: {  	_ =	shalt  }
0x7b: {  	_ =	shalt  }
0x7c: {  	_ =	shalt  }
0x7d: {  	_ =	shalt  }
0x7e: {  	_ =	shalt  }
0x7f: {  	_ =	shalt  }
0x80: {  	_ =	shalt  }
0x81: {  	_ =	shalt  }
0x82: {  	_ =	shalt  }
0x83: {  	_ =	shalt  }
0x84: {  	_ =	shalt  }
0x85: {  	_ =	shalt  }
0x86: {  	_ =	shalt  }
0x87: {  	_ =	shalt  }
.Lfunc_end0:
.L_simem_size_0:
called_computation.2_lowered:
.L_overlay_start_0:
0x88: {  	s2 =	sld [smem:$0x3FD9]  }
0x89: {  	s3 =	sld [smem:$0x3FFE];
	_ =	sdelay $0x1  }
0x8a: {  	s1 =	srdreg.scid  }
0x8b: {  	s0 =	sand.u32 $0x1, s1  }
0x8c: {  	s16 =	sshll.u32 s0, $0xA;
	s2 =	sadd.s32 s3, s2  }
0x8d: {  	s2 =	sadd.s32 s2, s16  }
0x8e: {  	[smem:$0x3F92] =	sst s2  }
0x8f: {  	_ = 	snop  }
0x90: {  	(tm) =	ssettm $0x1  }
0x91: {  	s17 =	sld [smem:$0x3FFB];
	_ =	sdelay $0x3  }
0x92: {  	_ =	strace s17  }
0x93: {  	s2 =	sld [smem:$0x3FFC];
	_ =	sdelay $0x3  }
0x94: {  	_ =	strace s2  }
0x95: {  	s2 =	sld [smem:$0x3FFD];
	_ =	sdelay $0x3  }
0x96: {  	_ =	strace s2  }
0x97: {  	_ =	strace $0x8FFFFFFF  }
0x98: {  	s18 =	sld [smem:$0x3FDB];
	_ =	sdelay $0x1  }
0x99: {  	s19 =	simm.s32 $_scs_section_size  }
0x9a: {  	s4 =	simm.s32 $_size__tile_overlayer_lowered;
	s5 =	simm.s32 $_tile_overlayer_lowered  }
0x9b: {  	s22 =	simm.s32 $0x1BFF;
	s21 =	sshll.u32 s5, $0x1;
	s2 =	sadd.s32 s19, s18  }
0x9c: {  	s6 =	simm.s32 $0x0;
	s20 =	sshll.u32 s4, $0x1;
	s4 =	sadd.s32 s21, s2  }
0x9d: {  	[timem:s6], [sflag:s22] =	dma.local [hbm:s4], s20  }
0x9e: {  	_ =	swait.ge [sflag:s22], s20  }
0x9f: {  	s3 =	ssub.s32 $0x0, s20;
	[sflag:s22] =	ssyncset.done $0x0  }
0xa0: {  	[sflag:s22] =	ssyncadd.s32 s3;
	_ =	sdelay $0x1  }
0xa1: {  	s23 =	simm.s32 $0x1B8B  }
0xa2: {  	_ =	swait.ge [sflag:s23], $0x1  }
0xa3: {  	[sflag:s23] =	ssyncset.done $0x0  }
0xa4: {  	s25 =	simm.s32 $0x1B8E;
	s24 =	sld [smem:$0x3FFE];
	[sflag:s23] =	ssyncadd.s32 $0xFFFFFFFF  }
0xa5: {  	s26 =	simm.s32 $execute0_lowered;
	[smem:$0x3FD2] =	sst s25  }
0xa6: {  	s4 =	sshll.u32 s26, $0x1;
	_ =	strace $0x8000004C;
	[dreg:$0x1] =	wrdreg $0xFFFFFFFF  }
0xa7: {  	s28 =	simm.s32 $_size_execute0_lowered;
	s2 =	sadd.s32 s2, s4;
	[dreg:$0x0] =	wrdreg $0x0  }
0xa8: {  	s4 =	sshll.u32 s28, $0x1;
	[dreg:$0x2] =	wrdreg s2  }
0xa9: {  	[dreg:$0x3] =	wrdreg s4  }
0xaa: {  	[dreg:$0x4] =	wrdreg $0xC0  }
0xab: {  	_ =	task [dreg:s6], $0x5FFFF  }
0xac: {  	[dreg:$0x1] =	wrdreg $0xFFFFFFFF  }
0xad: {  	[dreg:$0x0] =	wrdreg $0x60  }
0xae: {  	[dreg:$0x2] =	wrdreg s24  }
0xaf: {  	[dreg:$0x3] =	wrdreg $0x9  }
0xb0: {  	_ =	task.clear_ibuf [dreg:s6], $0x4FFFF;
	_ =	strace $0x9000004C  }
0xb1: {  	s29 =	simm.s32 $0x9;
	_ =	strace $0x8000004E  }
0xb2: {  	_ =	swait.ge [sflag:s29], $0x1  }
0xb3: {  	[sflag:s29] =	ssyncadd.s32 $0xFFFFFFFF  }
0xb4: {  	_ =	strace $0x9000004E  }
0xb5: {  	_ =	sfence  }
0xb6: {  	s30 =	sld [smem:$0x0];
	_ =	sdelay $0x2  }
0xb7: {  	s31 =	sshll.u32 s1, $0xD;
	s1 =	sshrl.u32 s1, $0x2  }
0xb8: {  	s3 =	sand.u32 $0x4000, s31;
	s1 =	sadd.s32 s1, s30  }
0xb9: {  	s0 =	sor.u32 s3, s0;
	s1 =	sshll.u32 s1, $0x11  }
0xba: {  	s0 =	sor.u32 s1, s0  }
0xbb: {  	s0 =	sadd.s32 $0x8F2B, s0  }
0xbc: {  	[sflag:s0] =	ssyncadd.remote.s32 $0x1  }
0xbd: {  	_ =	sfence.sel $0xFFFF  }
0xbe: {  	[dreg:$0x0] =	wrdreg $0xFFFFFFFF;
	(pc) =	sbr.abs _section_cstart, $3  }
0xbf: {  	[dreg:$0x1] =	wrdreg $0xFFFFFFFF  }
0xc0: {  	_ =	task.clear_ibuf [dreg:s6], $0x2FFFF;
	_ =	strace $0x9FFFFFFF  }
0xc1: {  	(tm) =	ssettm $0x7FFFFFFF  }
tec
execute0_lowered:
.L_overlay_start_1:
0x0: {  	(tag) =	ssettag $0x1  }
0x1: {  	s0 =	srdreg.scid;
	s5 =	rddreg [dreg:$0x0]  }
0x2: {  	s1 =	stileid.u32;
	s6 =	simm.s32 $0x1;
	s9 =	simm.s32 $0x1  }
0x3: {  	s10 =	simm.s32 $0x3;
	s13 =	simm.s32 $0x0;
	s2 =	sshll.u32 s0, $0xA  }
0x4: {  	s12 =	simm.s32 $0x0;
	s3 =	sshll.u32 s1, $0xB;
	s2 =	sand.u32 $0x400, s2  }
0x5: {  	s0 =	rddreg [dreg:$0x1];
	_ =	strace $0x8000004D;
	s2 =	sor.u32 s3, s2  }
0x6: {  	s4 =	sadd.s32 $0x44200, s5;
	[sflag:s6] =	ssyncpa.u1 $0x0;
	s8 =	ssub.s32 $0xC000, s2  }
.Ltmp0:
0x7: {  	s3 =	sadd.s32 $0x68A00, s5;
	s7 =	sand.u32 $0x7C00, s8;
	(pc) =	sbr.rel .LBB2_1-.Ltmp0, $4  }
0x8: {  	s5 =	sadd.s32 $0x40E00, s5;
	s11 =	smov.u32 s2;
	p0 =	sne.s32 s7, $0x0  }
0x9: {  	s8 =	sshrl.u32 s8, $0xF;
	s7 =	simm.s32 $0x2;
	s9 =	simm.s32 @!p0 $0x0  }
0xa: {  	[sflag:s7] =	ssyncpa.u1 $0x0;
	p0 =	por $0x0, $0x0;
	s8 =	sadd.s32 s9, s8  }
0xb: {  	vm0 =	vmmov $0xffff;
	[sflag:s10] =	ssyncpa.u1 $0x0;
	s10 =	simm.s32 $0x0;
	s9 =	sadd.s32 $0x1, s8  }
.LBB2_4:
0xc: {  	v5 =	vand.u32 $0x7F, v3;
	v59 =	vshll.u32 v3, $0x3;
	v2 =	vor.u32 v2, v4  }
0xd: {  	vm1 =	veq.s32 v1, $0x80000000;
	v60 =	vand.u32 $0x7, v1;
	v6 =	vand.u32 $0x7FC000, v1  }
0xe: {  	v61 =	vshrl.u32 v1, $0x3;
	v4 =	vsel vm1, $0xFFFFFFFF, v60;
	v3 =	vand.u32 $0xFFFFFC00, v59  }
0xf: {  	v1 =	vand.u32 $0x7FF, v61;
	v6 =	vsel vm1, $0xFFFFC000, v6;
	v2 =	vor.u32 v5, v2  }
0x10: {  	v7 =	vand.u32 $0xFFFFC000, v4;
	v4 =	vshll.u32 v4, $0x7;
	v1 =	vsel vm1, $0xFFFFFFFF, v1  }
0x11: {  	v2 =	vadd.s32 v3, v2;
	v4 =	vand.u32 $0x380, v4;
	v62 =	vadd.s32 v6, v7  }
0x12: {  	v63 =	vand.u32 $0x7F, v1;
	v1 =	vshll.u32 v1, $0x3;
	v4 =	vor.u32 v4, v62  }
0x13: {  	v1 =	vand.u32 $0xFFFFFC00, v1;
	v3 =	vor.u32 v63, v4  }
0x14: {  	v1 =	vadd.s32 v1, v3  }
0x15: {  	[tilespmem:s16], [sflag:$0x1] =	stream.indirect_vreg.gather [hbm4b:s3+s10], $0x1, v0, vm0, $0x4038;
	[tilespmem:$0x1000] =	vst v63  }
0x16: {  	s15 =	sadd.s32 $0x10, s15;
	(ifvalue) =	ssetifvalue $0x7FFFFFFF  }
0x17: {  	[tilespmem:s15], [sflag:$0x1] =	stream.indirect_vreg.gather [hbm4b:s3+s10], $0x1, v2, vm0, $0x4038;
	[tilespmem:$0x1000] =	vst v63  }
0x18: {  	s15 =	sadd.s32 $0x10, s15;
	(ifvalue) =	ssetifvalue $0x7FFFFFFF  }
0x19: {  	[tilespmem:s15], [sflag:$0x1] =	stream.indirect_vreg.gather [hbm4b:s3+s10], $0x1, v1, vm0, $0x4038;
	[tilespmem:$0x1000] =	vst v63  }
0x1a: {  	_ =	swait.ge [sflag:s6], $0x400  }
0x1b: {  	s30 =	sshrl.u32 s13, $0x3;
	[sflag:s6] =	ssyncset.done $0x0  }
0x1c: {  	s31 =	sand.u32 $0x7, s13;
	s15 =	sadd.s32 s5, s30;
	[sflag:s6] =	ssyncadd.s32 $0xFFFFFC00  }
0x1d: {  	[hbm4b:s15+s31] =	stream.linear.scatter [tilespmem:s14], [sflag:$0x3], $0x400, $0x38;
	[tilespmem:$0x1000] =	vst v63  }
.LBB2_5:
0x1e: {  	s15 =	sadd.s32 $0x8000, s11  }
0x1f: {  	p2 =	sgt.s32 s15, $0xBFFF  }
0x20: {  	s15 =	smov.u32 @p2 s2;
	p2 =	sne.s32 s12, s9  }
.Ltmp1:
0x21: {  	p1 =	slt.u32 s12, $0x2;
	(pc) =	sbr.rel @!p2 .LBB2_6-.Ltmp1, $4  }
0x22: {  	s14 =	simm.s32 @!p1 $0x3  }
0x23: {  	s16 =	sadd.s32 $0x1, s12;
	_ =	swait.ge @!p1 [sflag:s14], $0x400  }
0x24: {  	s13 =	smov.u32 s11;
	p0 =	por !p0, !p0;
	[sflag:s14] =	ssyncset.done @!p1 $0x0  }
0x25: {  	s12 =	smov.u32 s16;
	s11 =	smov.u32 s15;
	[sflag:s14] =	ssyncadd.s32 @!p1 $0xFFFFFC00  }
.LBB2_1:
0x26: {  	p1 =	sge.u32 s12, s8  }
0x27: {  	s14 =	sxor.u32 @!p1 $0xFFFFFFFF, s12  }
0x28: {  	s31 =	sadd.s32 $0xFFFFFFFF, s12;
	s15 =	sshrl.u32 @!p1 s11, $0x3;
	s14 =	sshll.u32 @!p1 s14, $0xA  }
0x29: {  	s16 =	sand.u32 @!p1 $0x7, s11;
	s15 =	sadd.s32 @!p1 s4, s15;
	s14 =	sand.u32 @!p1 $0x400, s14  }
0x2a: {  	[tilespmem:s14], [sflag:$0x2] =	stream.linear.gather @!p1 [hbm4b:s15+s16], $0x400, $0x38;
	[tilespmem:$0x1000] =	vst v63  }
0x2b: {  	p1 =	sge.u32 s31, s8  }
.Ltmp2:
0x2c: {  	_ = 	snop;
	(pc) =	sbr.rel @p1 .LBB2_5-.Ltmp2, $1  }
0x2d: {  	_ =	sdelay $0x3  }
0x2e: {  	s14 =	simm.s32 $0x1  }
0x2f: {  	_ =	swait.ge [sflag:s7], $0x400;
	s14 =	simm.s32 @!p0 $0x0  }
0x30: {  	[sflag:s7] =	ssyncset.done $0x0;
	s14 =	sshll.u32 s14, $0xA  }
0x31: {  	[sflag:s7] =	ssyncadd.s32 $0xFFFFFC00;
	(ifvalue) =	ssetifvalue $0x7FFFFFFF;
	v0 =	vld.msk [tilespmem:s14+$0x0 ss:$0x1], $0xffff  }
0x32: {  	s15 =	sadd.s32 $0x10, s14  }
0x33: {  	v1 =	vld.msk [tilespmem:s15+$0x0 ss:$0x1], $0xffff;
	_ =	sdelay $0x2  }
0x34: {  	vm1 =	veq.s32 v0, $0x80000000;
	v2 =	vand.u32 $0x7, v0;
	v3 =	vshrl.u32 v0, $0x3  }
0x35: {  	v0 =	vand.u32 $0x7FC000, v0;
	v2 =	vsel vm1, $0xFFFFFFFF, v2;
	v3 =	vand.u32 $0x7FF, v3  }
0x36: {  	v0 =	vsel vm1, $0xFFFFC000, v0;
	v5 =	vand.u32 $0x7FC000, v1;
	v4 =	vand.u32 $0xFFFFC000, v2  }
0x37: {  	v2 =	vshll.u32 v2, $0x7;
	v3 =	vsel vm1, $0xFFFFFFFF, v3;
	vm1 =	veq.s32 v1, $0x80000000  }
0x38: {  	v2 =	vand.u32 $0x380, v2;
	v0 =	vadd.s32 v0, v4;
	v4 =	vand.u32 $0x7F, v3  }
0x39: {  	v3 =	vshll.u32 v3, $0x3;
	v5 =	vsel vm1, $0xFFFFC000, v5;
	v0 =	vor.u32 v2, v0  }
0x3a: {  	s17 =	sadd.s32 $0x10, s15;
	v2 =	vand.u32 $0x7, v1;
	v1 =	vshrl.u32 v1, $0x3;
	v6 =	vand.u32 $0xFFFFFC00, v3  }
0x3b: {  	s16 =	sshll.u32 s12, $0xA;
	v2 =	vsel vm1, $0xFFFFFFFF, v2;
	v3 =	vand.u32 $0x7FF, v1;
	v1 =	vld.msk [tilespmem:s17+$0x0 ss:$0x1], $0xffff;
	v0 =	vor.u32 v4, v0  }
0x3c: {  	s18 =	simm.s32 $0x20;
	s31 =	sand.u32 $0x400, s16;
	s15 =	sor.u32 $0x800, s14;
	v7 =	vand.u32 $0xFFFFC000, v2;
	v2 =	vshll.u32 v2, $0x7;
	v3 =	vsel vm1, $0xFFFFFFFF, v3  }
0x3d: {  	s14 =	sor.u32 $0x800, s31;
	s16 =	smov.u32 s15;
	(ifvalue) =	ssetifvalue $0x7FFFFFFF;
	v0 =	vadd.s32 v6, v0;
	v2 =	vand.u32 $0x380, v2;
	v4 =	vadd.s32 v5, v7  }
.LBB2_3:
0x3e: {  	s18 =	sadd.s32 $0x10, s18  }
0x3f: {  	s17 =	sadd.s32 $0x10, s17;
	v5 =	vand.u32 $0x7F, v3;
	v3 =	vshll.u32 v3, $0x3;
	v4 =	vor.u32 v2, v4;
	s15 =	sadd.s32 $0x10, s15;
	p1 =	slt.u32 s18, $0x3F0  }
.Ltmp3:
0x40: {  	vm1 =	veq.s32 v1, $0x80000000;
	v2 =	vand.u32 $0x7, v1;
	v6 =	vand.u32 $0x7FC000, v1;
	v7 =	vmovc v1;
	v1 =	vld.msk [tilespmem:s17+$0x0 ss:$0x1], $0xffff;
	(pc) =	sbr.rel @p1 .LBB2_3-.Ltmp3, $4  }
0x41: {  	v2 =	vsel vm1, $0xFFFFFFFF, v2;
	v7 =	vshrl.u32 v7, $0x3;
	v8 =	vand.u32 $0xFFFFFC00, v3  }
0x42: {  	v3 =	vand.u32 $0x7FF, v7;
	v7 =	vand.u32 $0xFFFFC000, v2;
	v2 =	vshll.u32 v2, $0x7  }
0x43: {  	v6 =	vsel vm1, $0xFFFFC000, v6;
	v5 =	vor.u32 v5, v4;
	v2 =	vand.u32 $0x380, v2;
	[tilespmem:s16], [sflag:$0x1] =	stream.indirect_vreg.gather [hbm4b:s3+s10], $0x1, v0, vm0, $0x4038;
	[tilespmem:$0x1000] =	vst v63  }
0x44: {  	v3 =	vsel vm1, $0xFFFFFFFF, v3;
	v4 =	vadd.s32 v6, v7;
	v0 =	vadd.s32 v8, v5;
	s16 =	smov.u32 s15;
	(ifvalue) =	ssetifvalue $0x7FFFFFFF  }
.Ltmp4:
0x45: {  	_ = 	snop;
	(pc) =	sbr.rel .LBB2_4-.Ltmp4, $1  }
0x46: {  	_ =	sdelay $0x3  }
.LBB2_6:
0x47: {  	_ =	sfence.sel $0x180000  }
0x48: {  	s2 =	simm.s32 $0x2;
	[bflag:$0x0] =	sbarrier.arrive $0xFFFF  }
0x49: {  	s30 =	simm.s32 $0x3;
	[sflag:s2] =	ssyncpa.u1 $0x1  }
0x4a: {  	s31 =	simm.s32 $0x1;
	[sflag:s30] =	ssyncpa.u1 $0x1  }
0x4b: {  	[sflag:s31] =	ssyncpa.u1 $0x1  }
0x4c: {  	p0 =	sne.s32 s1, $0x0;
	_ =	strace $0x9000004D  }
0x4d: {  	s0 =	sadd.s32 @!p0 $0x100000, s0;
	[bflag:$0x2] =	sbarrier.arrive $0xFFFF  }
0x4e: {  	[sflag:s0] =	ssyncadd.tile.s32 @!p0 $0x1;
	_ =	shalt  }
.Lfunc_end2:
_tile_overlayer_lowered:
.L_overlay_start_2:
0x4f: {  	(tag) =	ssettag $0x2  }
0x50: {  	s0 =	rddreg [dreg:$0x0];
	s2 =	stileid.u32  }
0x51: {  	s1 =	rddreg [dreg:$0x1];
	p0 =	sne.s32 s2, $0x0  }
0x52: {  	s3 =	rddreg [dreg:$0x2];
	[bflag:$0x3] =	sbarrier.arrive $0xFFFF;
	s2 =	simm.s32 @!p0 $0x1C01  }
0x53: {  	[timem:s3], [sflag:s2] =	dma.local @!p0 [hbm:s0], s1  }
0x54: {  	s0 =	simm.s32 @!p0 $0x1  }
0x55: {  	_ =	swait.ge @!p0 [sflag:s0], s1  }
0x56: {  	s1 =	ssub.s32 @!p0 $0x0, s1;
	[sflag:s0] =	ssyncset.done @!p0 $0x0  }
0x57: {  	[sflag:s0] =	ssyncadd.s32 @!p0 s1  }
0x58: {  	[bflag:$0x3] =	sbarrier.arrive $0xFFFF  }
0x59: {  	_ =	shalt  }

// kernel: gather_offload_async_start
scs
__scs_entry_jumppad:
0x0: {  	(pc) =	sbr.rel $0x88, $3  }
0x1: {  	(tag) =	ssettag $0x0;
	lr =	simm.s32 $0x1  }
0x2: {  	[smem:$0x3F6B] =	sst lr;
	_ =	strace $0xD0000000  }
0x3: {  	_ = 	snop  }
0x4: {  	_ = 	snop  }
0x5: {  	_ = 	snop  }
0x6: {  	_ = 	snop  }
0x7: {  	_ = 	snop  }
__scs_overlays_trampoline_lowered:
0x8: {  	[smem:$0x3F7A] =	sst s0  }
0x9: {  	[smem:$0x3F7B] =	sst s1  }
0xa: {  	[smem:$0x3F7C] =	sst s2  }
0xb: {  	[smem:$0x3F7D] =	sst s3  }
0xc: {  	[smem:$0x3F7E] =	sst s4  }
0xd: {  	[smem:$0x3F7F] =	sst s5  }
0xe: {  	[smem:$0x3F80] =	sst s6  }
0xf: {  	[smem:$0x3F81] =	sst s7  }
0x10: {  	[smem:$0x3F82] =	sst s8  }
0x11: {  	[smem:$0x3F83] =	sst s9;
	s0 =	simm.s32 @!p0 $0x0  }
0x12: {  	s1 =	sld [smem:$0x3F69];
	s0 =	simm.s32 @p0 $0x1  }
0x13: {  	[smem:$0x3F84] =	sst s0;
	s0 =	simm.s32 @!p1 $0x0  }
0x14: {  	s2 =	sld [smem:$0x3F68];
	s0 =	simm.s32 @p1 $0x1  }
0x15: {  	[smem:$0x3F85] =	sst s0;
	s0 =	simm.s32 @!p2 $0x0  }
0x16: {  	s3 =	sld [smem:$0x3FDB];
	s0 =	simm.s32 @p2 $0x1  }
0x17: {  	s4 =	simm.s32 $0x1BF5;
	[smem:$0x3F87] =	sst s0  }
0x18: {  	s0 =	sld [smem:$0x3F6A];
	_ =	swait.ge [sflag:s4], $0x0  }
0x19: {  	s7 =	sld [smem:$0x3F6B]  }
0x1a: {  	s8 =	sadd.s32 $0xFFFFE003, lr  }
0x1b: {  	s9 =	sadd.s32 $0xFFFFFEF7, lr;
	s5 =	simm.s32 $0xFFFFFFFF;
	p2 =	slt.u32 s8, $0xFFFFF086  }
0x1c: {  	p1 =	slt.u32 s9, $0xF7A;
	s5 =	simm.s32 @!p2 $0x0  }
0x1d: {  	s5 =	simm.s32 @p1 $0x1;
	p0 =	seq.s32 s7, s2  }
0x1e: {  	s7 =	smul.u32 @!p0 $0xF7A, s2;
	p2 =	seq.s32 @!p0 s5, $0x0  }
0x1f: {  	s9 =	smul.u32 $0xF7A, s1;
	s8 =	simm.s32 @!p0 $0x1BF5;
	p2 =	por !p2, p0  }
0x20: {  	[sflag:s8] =	ssyncset.s32 @!p0 $0xFFFFF086;
	s6 =	sadd.s32 @!p0 s3, s7;
	s7 =	simm.s32 @!p0 $0x108  }
0x21: {  	s3 =	sadd.s32 s3, s9;
	s6 =	sadd.s32 @!p0 $0x88, s6;
	s7 =	simm.s32 @p2 $0x1082  }
0x22: {  	[simem:s7], [sflag:s8] =	dma.local @!p0 [hbm:s6], $0xF7A  }
0x23: {  	s9 =	sor.u32 $0xD0000000, s2;
	s6 =	simm.s32 $0x108;
	_ =	swait.ge @!p0 [sflag:s8], $0x0  }
0x24: {  	s3 =	sadd.s32 $0x88, s3;
	s6 =	simm.s32 @!p1 $0x1082;
	[sflag:s4] =	ssyncset.s32 $0xFFFFF086  }
0x25: {  	[simem:s6], [sflag:s4] =	dma.local [hbm:s3], $0xF7A  }
0x26: {  	[smem:$0x3F6B] =	sst s1;
	(tag) =	ssettag s2;
	_ =	strace s9  }
0x27: {  	s1 =	sld [smem:$0x3F7B]  }
0x28: {  	s2 =	sld [smem:$0x3F7C]  }
0x29: {  	s4 =	sld [smem:$0x3F7E]  }
0x2a: {  	p0 =	seq.s32 s5, $0x0;
	s5 =	sld [smem:$0x3F7F]  }
0x2b: {  	s6 =	sld [smem:$0x3F80]  }
0x2c: {  	s7 =	sld [smem:$0x3F81]  }
0x2d: {  	s3 =	simm.s32 $0x108;
	s8 =	sld [smem:$0x3F82]  }
0x2e: {  	s3 =	simm.s32 @!p0 $0x1082;
	s9 =	sld [smem:$0x3F83]  }
0x2f: {  	lr =	sadd.s32 s0, s3;
	s0 =	sld [smem:$0x3F7A]  }
0x30: {  	s3 =	sld [smem:$0x3F7D]  }
0x31: {  	[smem:$0x3F86] =	sst s10  }
0x32: {  	s10 =	sld [smem:$0x3F84];
	_ =	sdelay $0x3  }
0x33: {  	p0 =	seq.s32 s10, $0x1;
	s10 =	sld [smem:$0x3F86];
	_ =	sdelay $0x3  }
0x34: {  	[smem:$0x3F86] =	sst s10  }
0x35: {  	s10 =	sld [smem:$0x3F85];
	_ =	sdelay $0x3  }
0x36: {  	p1 =	seq.s32 s10, $0x1;
	s10 =	sld [smem:$0x3F86];
	_ =	sdelay $0x3  }
0x37: {  	[smem:$0x3F86] =	sst s10  }
0x38: {  	s10 =	sld [smem:$0x3F87]  }
0x39: {  	_ = 	snop;
	(pc) =	sbr.ind lr, $3  }
0x3a: {  	_ = 	snop  }
0x3b: {  	_ = 	snop  }
0x3c: {  	p2 =	seq.s32 s10, $0x1;
	s10 =	sld [smem:$0x3F86]  }
0x3d: {  	_ =	shalt  }
0x3e: {  	_ =	shalt  }
0x3f: {  	_ =	shalt  }
0x40: {  	_ =	shalt  }
0x41: {  	_ =	shalt  }
0x42: {  	_ =	shalt  }
0x43: {  	_ =	shalt  }
0x44: {  	_ =	shalt  }
0x45: {  	_ =	shalt  }
0x46: {  	_ =	shalt  }
0x47: {  	_ =	shalt  }
0x48: {  	_ =	shalt  }
0x49: {  	_ =	shalt  }
0x4a: {  	_ =	shalt  }
0x4b: {  	_ =	shalt  }
0x4c: {  	_ =	shalt  }
0x4d: {  	_ =	shalt  }
0x4e: {  	_ =	shalt  }
0x4f: {  	_ =	shalt  }
0x50: {  	_ =	shalt  }
0x51: {  	_ =	shalt  }
0x52: {  	_ =	shalt  }
0x53: {  	_ =	shalt  }
0x54: {  	_ =	shalt  }
0x55: {  	_ =	shalt  }
0x56: {  	_ =	shalt  }
0x57: {  	_ =	shalt  }
0x58: {  	_ =	shalt  }
0x59: {  	_ =	shalt  }
0x5a: {  	_ =	shalt  }
0x5b: {  	_ =	shalt  }
0x5c: {  	_ =	shalt  }
0x5d: {  	_ =	shalt  }
0x5e: {  	_ =	shalt  }
0x5f: {  	_ =	shalt  }
0x60: {  	_ =	shalt  }
0x61: {  	_ =	shalt  }
0x62: {  	_ =	shalt  }
0x63: {  	_ =	shalt  }
0x64: {  	_ =	shalt  }
0x65: {  	_ =	shalt  }
0x66: {  	_ =	shalt  }
0x67: {  	_ =	shalt  }
0x68: {  	_ =	shalt  }
0x69: {  	_ =	shalt  }
0x6a: {  	_ =	shalt  }
0x6b: {  	_ =	shalt  }
0x6c: {  	_ =	shalt  }
0x6d: {  	_ =	shalt  }
0x6e: {  	_ =	shalt  }
0x6f: {  	_ =	shalt  }
0x70: {  	_ =	shalt  }
0x71: {  	_ =	shalt  }
0x72: {  	_ =	shalt  }
0x73: {  	_ =	shalt  }
0x74: {  	_ =	shalt  }
0x75: {  	_ =	shalt  }
0x76: {  	_ =	shalt  }
0x77: {  	_ =	shalt  }
0x78: {  	_ =	shalt  }
0x79: {  	_ =	shalt  }
0x7a: {  	_ =	shalt  }
0x7b: {  	_ =	shalt  }
0x7c: {  	_ =	shalt  }
0x7d: {  	_ =	shalt  }
0x7e: {  	_ =	shalt  }
0x7f: {  	_ =	shalt  }
0x80: {  	_ =	shalt  }
0x81: {  	_ =	shalt  }
0x82: {  	_ =	shalt  }
0x83: {  	_ =	shalt  }
0x84: {  	_ =	shalt  }
0x85: {  	_ =	shalt  }
0x86: {  	_ =	shalt  }
0x87: {  	_ =	shalt  }
.Lfunc_end0:
.L_simem_size_0:
called_computation_lowered:
.L_overlay_start_0:
0x88: {  	s0 =	sld [smem:$0x3FD9]  }
0x89: {  	s1 =	sld [smem:$0x3FFE];
	_ =	sdelay $0x3  }
0x8a: {  	s0 =	sadd.s32 s1, s0  }
0x8b: {  	[smem:$0x3F92] =	sst s0  }
0x8c: {  	_ = 	snop  }
0x8d: {  	(tm) =	ssettm $0x1  }
0x8e: {  	s15 =	sld [smem:$0x3FFB];
	_ =	sdelay $0x3  }
0x8f: {  	_ =	strace s15  }
0x90: {  	s0 =	sld [smem:$0x3FFC];
	_ =	sdelay $0x3  }
0x91: {  	_ =	strace s0  }
0x92: {  	s0 =	sld [smem:$0x3FFD];
	_ =	sdelay $0x3  }
0x93: {  	_ =	strace s0  }
0x94: {  	_ =	strace $0x8FFFFFFF  }
0x95: {  	s16 =	sld [smem:$0x3FDB];
	_ =	sdelay $0x1  }
0x96: {  	s17 =	simm.s32 $_scs_section_size  }
0x97: {  	s2 =	simm.s32 $_size__tile_overlayer_lowered;
	s3 =	simm.s32 $_tile_overlayer_lowered  }
0x98: {  	s20 =	simm.s32 $0x1BFF;
	s19 =	sshll.u32 s3, $0x1;
	s0 =	sadd.s32 s17, s16  }
0x99: {  	s4 =	simm.s32 $0x0;
	s18 =	sshll.u32 s2, $0x1;
	s2 =	sadd.s32 s19, s0  }
0x9a: {  	[timem:s4], [sflag:s20] =	dma.local [hbm:s2], s18  }
0x9b: {  	_ =	swait.ge [sflag:s20], s18  }
0x9c: {  	s1 =	ssub.s32 $0x0, s18;
	[sflag:s20] =	ssyncset.done $0x0  }
0x9d: {  	[sflag:s20] =	ssyncadd.s32 s1;
	_ =	sdelay $0x1  }
0x9e: {  	s21 =	simm.s32 $0x1B8B  }
0x9f: {  	_ =	swait.ge [sflag:s21], $0x1  }
0xa0: {  	[sflag:s21] =	ssyncset.done $0x0  }
0xa1: {  	s23 =	simm.s32 $0x1B8E;
	s22 =	sld [smem:$0x3FFE];
	[sflag:s21] =	ssyncadd.s32 $0xFFFFFFFF  }
0xa2: {  	s24 =	simm.s32 $execute0_lowered;
	[smem:$0x3FD2] =	sst s23  }
0xa3: {  	s2 =	sshll.u32 s24, $0x1;
	_ =	strace $0x80000046;
	[dreg:$0x1] =	wrdreg $0xFFFFFFFF  }
0xa4: {  	s25 =	simm.s32 $_size_execute0_lowered;
	s0 =	sadd.s32 s0, s2;
	[dreg:$0x0] =	wrdreg $0x0  }
0xa5: {  	s2 =	sshll.u32 s25, $0x1;
	[dreg:$0x2] =	wrdreg s0  }
0xa6: {  	[dreg:$0x3] =	wrdreg s2  }
0xa7: {  	[dreg:$0x4] =	wrdreg $0xC0  }
0xa8: {  	_ =	task [dreg:s4], $0x5FFFF  }
0xa9: {  	[dreg:$0x1] =	wrdreg $0xFFFFFFFF  }
0xaa: {  	[dreg:$0x0] =	wrdreg $0x60  }
0xab: {  	[dreg:$0x2] =	wrdreg s22  }
0xac: {  	[dreg:$0x3] =	wrdreg $0x9  }
0xad: {  	_ =	task.clear_ibuf [dreg:s4], $0x4FFFF;
	_ =	strace $0x90000046  }
0xae: {  	s26 =	simm.s32 $0x9;
	_ =	strace $0x80000048  }
0xaf: {  	_ =	swait.ge [sflag:s26], $0x1  }
0xb0: {  	[sflag:s26] =	ssyncadd.s32 $0xFFFFFFFF  }
0xb1: {  	_ =	strace $0x90000048  }
0xb2: {  	_ =	sfence  }
0xb3: {  	s28 =	sld [smem:$0x0];
	_ =	sdelay $0x1  }
0xb4: {  	s29 =	srdreg.scid  }
0xb5: {  	s30 =	sshll.u32 s29, $0xD;
	s31 =	sshrl.u32 s29, $0x2  }
0xb6: {  	s1 =	sand.u32 $0x1, s29;
	s2 =	sand.u32 $0x4000, s30;
	s0 =	sadd.s32 s31, s28  }
0xb7: {  	s1 =	sor.u32 s2, s1;
	s0 =	sshll.u32 s0, $0x11  }
0xb8: {  	s0 =	sor.u32 s0, s1  }
0xb9: {  	s0 =	sadd.s32 $0x8F2B, s0  }
0xba: {  	[sflag:s0] =	ssyncadd.remote.s32 $0x1  }
0xbb: {  	_ =	sfence.sel $0xFFFF  }
0xbc: {  	[dreg:$0x0] =	wrdreg $0xFFFFFFFF;
	(pc) =	sbr.abs _section_cstart, $3  }
0xbd: {  	[dreg:$0x1] =	wrdreg $0xFFFFFFFF  }
0xbe: {  	_ =	task.clear_ibuf [dreg:s4], $0x2FFFF;
	_ =	strace $0x9FFFFFFF  }
0xbf: {  	(tm) =	ssettm $0x7FFFFFFF  }
tec
execute0_lowered:
.L_overlay_start_1:
0x0: {  	(tag) =	ssettag $0x1  }
0x1: {  	s0 =	stileid.u32  }
0x2: {  	s1 =	smin.u32 s0, $0x9;
	s2 =	sshll.u32 s0, $0x1  }
0x3: {  	s1 =	sadd.s32 s1, s2  }
0x4: {  	p0 =	slt.u32 s0, $0x9;
	s2 =	smul.u32 $0x50, s1;
	s1 =	simm.s32 $0xF0  }
0x5: {  	s1 =	simm.s32 @!p0 $0xA0  }
0x6: {  	s1 =	sadd.s32 s1, s2  }
0x7: {  	s3 =	smin.u32 s1, $0xCD0  }
0x8: {  	s7 =	ssub.s32 s3, s2  }
0x9: {  	p0 =	sgt.s32 s7, $0x0  }
0xa: {  	s7 =	simm.s32 @!p0 $0x0  }
0xb: {  	s31 =	smul.u32 $0xCCCD, s7  }
0xc: {  	s4 =	rddreg [dreg:$0x0];
	s6 =	simm.s32 $0x1  }
0xd: {  	s10 =	simm.s32 $0x3;
	s13 =	simm.s32 $0x0;
	s8 =	sshrl.u32 s31, $0x16  }
0xe: {  	s12 =	simm.s32 $0x0;
	s5 =	sadd.s32 $0x40000, s4;
	s9 =	smul.u32 $0x50, s8  }
.Ltmp0:
0xf: {  	s11 =	smov.u32 s2;
	s1 =	rddreg [dreg:$0x1];
	(pc) =	sbr.rel .LBB2_1-.Ltmp0, $4  }
0x10: {  	_ =	strace $0x80000047;
	p0 =	sne.s32 s7, s9;
	s9 =	simm.s32 $0x1  }
0x11: {  	[sflag:s6] =	ssyncpa.u1 $0x0;
	s7 =	simm.s32 $0x2;
	s9 =	simm.s32 @!p0 $0x0  }
0x12: {  	[sflag:s7] =	ssyncpa.u1 $0x0;
	p0 =	por $0x0, $0x0;
	s8 =	sadd.s32 s8, s9  }
0x13: {  	vm0 =	vmmov $0xff;
	vm1 =	vcmask $0x3F20;
	s9 =	sadd.s32 $0x40600, s4;
	[sflag:s10] =	ssyncpa.u1 $0x0;
	s10 =	sadd.s32 $0x1, s8  }
.LBB2_6:
0x14: {  	[hbm:s17] =	stream.linear.scatter [tilespmem:s14], [sflag:$0x3], $0x400, $0x38;
	[tilespmem:$0x50A0] =	vst v63  }
.LBB2_7:
0x15: {  	s13 =	sadd.s32 $0x50, s11  }
0x16: {  	s15 =	smov.u32 s2;
	p2 =	slt.s32 s13, s3  }
0x17: {  	s15 =	smov.u32 @p2 s13;
	p2 =	sne.s32 s12, s10  }
.Ltmp1:
0x18: {  	p1 =	slt.u32 s12, $0x2;
	(pc) =	sbr.rel @!p2 .LBB2_8-.Ltmp1, $4  }
0x19: {  	s14 =	simm.s32 @!p1 $0x3  }
0x1a: {  	s16 =	sadd.s32 $0x1, s12;
	_ =	swait.ge @!p1 [sflag:s14], $0x2800  }
0x1b: {  	p0 =	por !p0, !p0;
	s13 =	smov.u32 s11;
	[sflag:s14] =	ssyncset.done @!p1 $0x0  }
0x1c: {  	s12 =	smov.u32 s16;
	s11 =	smov.u32 s15;
	[sflag:s14] =	ssyncadd.s32 @!p1 $0xFFFFD800  }
.LBB2_1:
0x1d: {  	p1 =	sge.u32 s12, s8  }
0x1e: {  	s14 =	sxor.u32 @!p1 $0xFFFFFFFF, s12  }
0x1f: {  	s14 =	sand.u32 @!p1 $0x1, s14  }
0x20: {  	s14 =	smul.u32 @!p1 $0x140, s14  }
0x21: {  	s31 =	sadd.s32 $0xFFFFFFFF, s12;
	s15 =	sshrl.u32 @!p1 s11, $0x3  }
0x22: {  	s16 =	sand.u32 @!p1 $0x7, s11;
	s15 =	sadd.s32 @!p1 s5, s15;
	s14 =	sshrl.u32 @!p1 s14, $0x2  }
0x23: {  	[tilespmem:s14], [sflag:$0x2] =	stream.linear.gather @!p1 [hbm4b:s15+s16], $0x50, $0x38;
	[tilespmem:$0x50A0] =	vst v63  }
0x24: {  	p1 =	sge.u32 s31, s8  }
.Ltmp2:
0x25: {  	_ = 	snop;
	(pc) =	sbr.rel @p1 .LBB2_7-.Ltmp2, $1  }
0x26: {  	_ =	sdelay $0x3  }
0x27: {  	s14 =	simm.s32 $0x1  }
0x28: {  	s14 =	simm.s32 @!p0 $0x0  }
0x29: {  	s15 =	smul.u32 $0x140, s14  }
0x2a: {  	_ =	swait.ge [sflag:s7], $0x50  }
0x2b: {  	[sflag:s7] =	ssyncset.done $0x0;
	s16 =	sshrl.u32 s15, $0x2  }
0x2c: {  	[sflag:s7] =	ssyncadd.s32 $0xFFFFFFB0;
	s15 =	sadd.s32 $0x0, s16  }
0x2d: {  	v0 =	vld.msk [tilespmem:s15+$0x0 ss:$0x1], $0xffff;
	_ =	sdelay $0x4  }
0x2e: {  	v1 =	vshll.u32 v0, $0x4  }
0x2f: {  	vm2 =	veq.s32 v0, $0x80000000;
	v0 =	vshll.u32 v0, $0x12;
	v1 =	vand.u32 $0x3FF80, v1  }
0x30: {  	v0 =	vand.u32 $0x1C0000, v0;
	v1 =	vsel vm2, $0xFFFFFF80, v1  }
0x31: {  	v0 =	vsel vm2, $0xFFFC0000, v0;
	v2 =	vand.u32 $0xFFFFFC00, v1  }
0x32: {  	v1 =	vand.u32 $0x380, v1;
	v0 =	vadd.s32 v0, v2  }
0x33: {  	v0 =	vor.u32 v1, v0  }
0x34: {  	v0 =	vshrl.u32 v0, $0x3  }
0x35: {  	s14 =	smul.u32 $0xA000, s14;
	_ =	sdelay $0x1  }
0x36: {  	s14 =	sshrl.u32 s14, $0x2  }
0x37: {  	s14 =	sor.u32 $0xA0, s14  }
0x38: {  	[tilespmem:s14], [sflag:$0x1] =	stream.indirect_vreg.gather [hbm:s4], $0x80, v0, vm0, $0x38;
	[tilespmem:$0x50A0] =	vst v63  }
0x39: {  	s17 =	sadd.s32 $0x10, s16;
	s15 =	sadd.s32 $0x400, s14  }
0x3a: {  	[tilespmem:s15], [sflag:$0x1] =	stream.indirect_vreg.gather [hbm:s4], $0x80, v0, vm1, $0x38;
	[tilespmem:$0x50A0] =	vst v63  }
0x3b: {  	s18 =	simm.s32 $0x80;
	v0 =	vld.msk [tilespmem:s17+$0x0 ss:$0x1], $0xffff;
	s17 =	smov.u32 s14  }
.LBB2_3:
0x3c: {  	p1 =	sne.s32 s18, $0x100;
	_ =	sdelay $0x4  }
0x3d: {  	v1 =	vshll.u32 v0, $0x4  }
0x3e: {  	vm2 =	veq.s32 v0, $0x80000000;
	v0 =	vshll.u32 v0, $0x12;
	v1 =	vand.u32 $0x3FF80, v1  }
0x3f: {  	v0 =	vand.u32 $0x1C0000, v0;
	v1 =	vsel vm2, $0xFFFFFF80, v1  }
0x40: {  	v0 =	vsel vm2, $0xFFFC0000, v0;
	v2 =	vand.u32 $0xFFFFFC00, v1  }
0x41: {  	v1 =	vand.u32 $0x380, v1;
	v0 =	vadd.s32 v0, v2  }
0x42: {  	v0 =	vor.u32 v1, v0  }
0x43: {  	v0 =	vshrl.u32 v0, $0x3;
	_ =	sdelay $0x3  }
.Ltmp3:
0x44: {  	s19 =	sshra.s32 s18, $0x2;
	s17 =	sadd.s32 $0x800, s17;
	(pc) =	sbr.rel @p1 .LBB2_3-.Ltmp3, $4  }
0x45: {  	[tilespmem:s17], [sflag:$0x1] =	stream.indirect_vreg.gather [hbm:s4], $0x80, v0, vm0, $0x38;
	[tilespmem:$0x50A0] =	vst v63  }
0x46: {  	s19 =	sadd.s32 s19, s16;
	s20 =	sadd.s32 $0x400, s17  }
0x47: {  	[tilespmem:s20], [sflag:$0x1] =	stream.indirect_vreg.gather [hbm:s4], $0x80, v0, vm1, $0x38;
	[tilespmem:$0x50A0] =	vst v63  }
0x48: {  	s18 =	sadd.s32 $0x40, s18;
	v0 =	vld.msk [tilespmem:s19+$0x0 ss:$0x1], $0xffff  }
0x49: {  	_ =	sdelay $0x3  }
0x4a: {  	v1 =	vshll.u32 v0, $0x4  }
0x4b: {  	vm2 =	veq.s32 v0, $0x80000000;
	v63 =	vshll.u32 v0, $0x12;
	v1 =	vand.u32 $0x3FF80, v1  }
0x4c: {  	v0 =	vand.u32 $0x1C0000, v63;
	v1 =	vsel vm2, $0xFFFFFF80, v1  }
0x4d: {  	v0 =	vsel vm2, $0xFFFC0000, v0;
	v2 =	vand.u32 $0xFFFFFC00, v1  }
0x4e: {  	v1 =	vand.u32 $0x380, v1;
	v0 =	vadd.s32 v0, v2  }
0x4f: {  	v0 =	vor.u32 v1, v0  }
0x50: {  	v0 =	vshrl.u32 v0, $0x3;
	_ =	sdelay $0x3  }
0x51: {  	s16 =	sadd.s32 $0x800, s17  }
0x52: {  	[tilespmem:s16], [sflag:$0x1] =	stream.indirect_vreg.gather [hbm:s4], $0x80, v0, vm0, $0x38;
	[tilespmem:$0x50A0] =	vst v63  }
0x53: {  	s16 =	sadd.s32 $0x400, s16  }
0x54: {  	[tilespmem:s16], [sflag:$0x1] =	stream.indirect_vreg.gather [hbm:s4], $0x80, v0, vm1, $0x38;
	[tilespmem:$0x50A0] =	vst v63  }
0x55: {  	s13 =	sshll.u32 s13, $0x4;
	_ =	swait.ge [sflag:s6], $0x2800  }
0x56: {  	s13 =	sadd.s32 s13, s9;
	[sflag:s6] =	ssyncset.done $0x0  }
0x57: {  	s17 =	sadd.s32 $0x0, s13;
	s16 =	simm.s32 $0x80;
	[sflag:s6] =	ssyncadd.s32 $0xFFFFD800  }
.LBB2_5:
0x58: {  	[hbm:s17] =	stream.linear.scatter [tilespmem:s14], [sflag:$0x3], $0x400, $0x38;
	[tilespmem:$0x50A0] =	vst v63  }
0x59: {  	s17 =	smov.u32 s16;
	s14 =	smov.u32 s15;
	p1 =	sne.s32 s16, $0x480  }
.Ltmp4:
0x5a: {  	s16 =	sadd.s32 $0x80, s16;
	(pc) =	sbr.rel @p1 .LBB2_5-.Ltmp4, $2  }
0x5b: {  	_ =	sdelay $0x2  }
0x5c: {  	s15 =	sadd.s32 $0x400, s15;
	s17 =	sadd.s32 s17, s13  }
.Ltmp5:
0x5d: {  	_ = 	snop;
	(pc) =	sbr.rel .LBB2_6-.Ltmp5, $1  }
0x5e: {  	_ =	sdelay $0x3  }
.LBB2_8:
0x5f: {  	_ =	sfence.sel $0x180000  }
0x60: {  	s2 =	simm.s32 $0x2;
	[bflag:$0x0] =	sbarrier.arrive $0xFFFF  }
0x61: {  	s30 =	simm.s32 $0x3;
	[sflag:s2] =	ssyncpa.u1 $0x1  }
0x62: {  	s31 =	simm.s32 $0x1;
	[sflag:s30] =	ssyncpa.u1 $0x1  }
0x63: {  	[sflag:s31] =	ssyncpa.u1 $0x1  }
0x64: {  	p0 =	sne.s32 s0, $0x0;
	_ =	strace $0x90000047  }
0x65: {  	s0 =	sadd.s32 @!p0 $0x100000, s1;
	[bflag:$0x2] =	sbarrier.arrive $0xFFFF  }
0x66: {  	[sflag:s0] =	ssyncadd.tile.s32 @!p0 $0x1;
	_ =	shalt  }
.Lfunc_end2:
_tile_overlayer_lowered:
.L_overlay_start_2:
0x67: {  	(tag) =	ssettag $0x2  }
0x68: {  	s0 =	rddreg [dreg:$0x0];
	s2 =	stileid.u32  }
0x69: {  	s1 =	rddreg [dreg:$0x1];
	p0 =	sne.s32 s2, $0x0  }
0x6a: {  	s3 =	rddreg [dreg:$0x2];
	[bflag:$0x3] =	sbarrier.arrive $0xFFFF;
	s2 =	simm.s32 @!p0 $0x1C01  }
0x6b: {  	[timem:s3], [sflag:s2] =	dma.local @!p0 [hbm:s0], s1  }
0x6c: {  	s0 =	simm.s32 @!p0 $0x1  }
0x6d: {  	_ =	swait.ge @!p0 [sflag:s0], s1  }
0x6e: {  	s1 =	ssub.s32 @!p0 $0x0, s1;
	[sflag:s0] =	ssyncset.done @!p0 $0x0  }
0x6f: {  	[sflag:s0] =	ssyncadd.s32 @!p0 s1  }
0x70: {  	[bflag:$0x3] =	sbarrier.arrive $0xFFFF  }
0x71: {  	_ =	shalt  }

</sc_bundles>
